<compile_context>
chip_gen: v7x
topology: tpu7x:2x2x1
jax: 0.10.2.dev20260603
libtpu: 0.0.44.dev20260713+nightly
codegen_flags: <defaults>
</compile_context>

<pallas_src>
import functools

import jax
import jax.numpy as jnp
from jax import lax
from jax.experimental import pallas as pl
from jax.experimental.pallas import tpu as pltpu
from jax.experimental.pallas import tpu_sc as plsc

NC = 2
NS = 16
NW = NC * NS
CL = 128
NBUF = 6
DEPTH = 4


@functools.cache
def _build(n_total: int, n_chunks: int, d: int):
    mesh = plsc.VectorSubcoreMesh(core_axis_name="c", subcore_axis_name="s")
    per_w = n_total // NW
    j_lo = NBUF - DEPTH
    n_steady = ((n_chunks - DEPTH - j_lo) // NBUF) * NBUF
    assert n_steady >= 0

    @functools.partial(
        pl.kernel,
        mesh=mesh,
        out_type=jax.ShapeDtypeStruct((n_total, d), jnp.float32),
        scratch_types=[
            pltpu.VMEM((n_chunks, CL), jnp.int32),
            pltpu.VMEM((NBUF, CL, d), jnp.float32),
            [pltpu.SemaphoreType.DMA] * NBUF,
            [pltpu.SemaphoreType.DMA] * NBUF,
        ],
    )
    def gather_kernel(idx_hbm, table_hbm, out_hbm, idx_v, rows_v, gsems, osems):
        wid = lax.axis_index("s") * NC + lax.axis_index("c")
        base = wid * per_w

        pltpu.sync_copy(idx_hbm.at[wid], idx_v)

        def gather(j, b):
            pltpu.async_copy(table_hbm.at[idx_v.at[j]], rows_v.at[b], gsems[b])

        def wait_gather(b):
            pltpu.make_async_copy(
                table_hbm.at[idx_v.at[0]], rows_v.at[b], gsems[b]
            ).wait()

        def copy_out(j, b):
            pltpu.async_copy(
                rows_v.at[b], out_hbm.at[pl.ds(base + j * CL, CL)], osems[b]
            )

        def wait_out(b):
            pltpu.make_async_copy(
                rows_v.at[b], out_hbm.at[pl.ds(base, CL)], osems[b]
            ).wait()

        def step(j, b):
            jn = j + DEPTH
            bp = jn % NBUF
            if jn - NBUF >= 0:
                wait_out(bp)
            if jn < n_chunks:
                gather(jn, bp)
            wait_gather(b)
            copy_out(j, b)

        for j in range(DEPTH):
            gather(j, j % NBUF)
        for j in range(j_lo):
            step(j, j % NBUF)

        def body(io, carry):
            j0 = j_lo + io * NBUF
            for t in range(NBUF):
                j = j0 + t
                b = (j_lo + t) % NBUF
                jn = j + DEPTH
                bp = (j_lo + t + DEPTH) % NBUF
                wait_out(bp)
                gather(jn, bp)
                wait_gather(b)
                copy_out(j, b)
            return carry

        lax.fori_loop(0, n_steady // NBUF, body, 0)

        for j in range(j_lo + n_steady, n_chunks):
            step(j, j % NBUF)

        for j in range(n_chunks - NBUF + DEPTH, n_chunks):
            wait_out(j % NBUF)

    return gather_kernel


def kernel(token_ids, W):
    b, l = token_ids.shape
    d = W.shape[1]
    n_total = b * l
    idx = token_ids.reshape(-1).astype(jnp.int32)
    n_chunks = n_total // (NW * CL)
    idx3 = idx.reshape(NW, n_chunks, CL)
    out = _build(n_total, n_chunks, d)(idx3, W)
    return out.reshape(b, l, d)

# --- scband reference (transcript-rebuilt; emitter-appended) ---
"""Pipeline reference for scband-embedding-45561013076087 (READ-ONLY COPY).

The authoritative reference and input builder live on the scoring server;
editing this copy changes nothing except your own understanding.
"""

import jax, jax.numpy as jnp
import numpy as np

NUM_EMBEDDINGS = 100000
EMBEDDING_DIM = 128
B, L = 4096, 50

def setup_inputs(seed: int = 0) -> dict:
    key = jax.random.key(seed)
    k_idx, k_w = jax.random.split(key)
    token_ids = jax.random.randint(k_idx, (B, L), 0, NUM_EMBEDDINGS, dtype=jnp.int64 if jax.config.jax_enable_x64 else jnp.int32)
    # truncated normal init mean=0, std=1, a=-3, b=3
    W = jax.random.truncated_normal(k_w, -3.0, 3.0, (NUM_EMBEDDINGS, EMBEDDING_DIM), dtype=jnp.float32)
    return {"token_ids": token_ids, "W": W}

def reference(token_ids, W):
    Bsz, Lsz = token_ids.shape
    index = token_ids.reshape(-1)
    out = jnp.take(W, index, axis=0)
    out = out.reshape(Bsz, Lsz, -1)
    return out

if __name__ == "__main__":
    import jax
    _d = setup_inputs()
    print(jax.jit(kernel)(*tuple(_d.values())))

</pallas_src>

<mosaic_0001>
#map = affine_map<(d0, d1) -> (0, 0, 0)>
#map1 = affine_map<(d0, d1) -> (0, 0)>
module attributes {stable_mosaic.version = 14 : i64} {
  func.func @gather_kernel(%arg0: i32, %arg1: i32, %arg2: memref<32x50x128xi32, #tpu.memory_space<hbm>>, %arg3: memref<100000x128xf32, #tpu.memory_space<hbm>>, %arg4: memref<204800x128xf32, #tpu.memory_space<hbm>>, %arg5: memref<50x128xi32, #tpu.memory_space<vmem>>, %arg6: memref<6x128x128xf32, #tpu.memory_space<vmem>>, %arg7: memref<!tpu.dma_semaphore, #tpu.memory_space<semaphore_mem>>, %arg8: memref<!tpu.dma_semaphore, #tpu.memory_space<semaphore_mem>>, %arg9: memref<!tpu.dma_semaphore, #tpu.memory_space<semaphore_mem>>, %arg10: memref<!tpu.dma_semaphore, #tpu.memory_space<semaphore_mem>>, %arg11: memref<!tpu.dma_semaphore, #tpu.memory_space<semaphore_mem>>, %arg12: memref<!tpu.dma_semaphore, #tpu.memory_space<semaphore_mem>>, %arg13: memref<!tpu.dma_semaphore, #tpu.memory_space<semaphore_mem>>, %arg14: memref<!tpu.dma_semaphore, #tpu.memory_space<semaphore_mem>>, %arg15: memref<!tpu.dma_semaphore, #tpu.memory_space<semaphore_mem>>, %arg16: memref<!tpu.dma_semaphore, #tpu.memory_space<semaphore_mem>>, %arg17: memref<!tpu.dma_semaphore, #tpu.memory_space<semaphore_mem>>, %arg18: memref<!tpu.dma_semaphore, #tpu.memory_space<semaphore_mem>>) attributes {dimension_semantics = [#tpu.dimension_semantics<core_parallel>, #tpu.dimension_semantics<subcore_parallel>], iteration_bounds = array<i64: 2, 16>, scalar_prefetch = 0 : i64, scratch_operands = 14 : i64, tpu.core_type = #tpu.core_type<sc_vector_subcore>, window_params = [{transform_indices = #map}, {transform_indices = #map1}, {transform_indices = #map1}]} {
    %mul3A = arith.constant 2 : i32
    %mul3A_0 = arith.muli %arg1, %mul3A : i32
    %add3A = arith.addi %mul3A_0, %arg0 : i32
    %mul3A_1 = arith.constant 6400 : i32
    %mul3A_2 = arith.muli %add3A, %mul3A_1 : i32
    "tpu.region"() ({
      %run_scoped3A = tpu.sem_alloc : memref<!tpu.dma_semaphore, #tpu.memory_space<semaphore_mem>>
      %dma_start3A_422 = arith.constant 0 : i32
      %dma_start3A_423 = arith.constant 0 : i32
      %dma_start3A_424 = tpu.memref_slice %arg2[%add3A, %dma_start3A_422, %dma_start3A_423] : memref<32x50x128xi32, #tpu.memory_space<hbm>> -> memref<1x50x128xi32, #tpu.memory_space<hbm>>
      %dma_start3A_425 = tpu.memref_squeeze %dma_start3A_424 : memref<1x50x128xi32, #tpu.memory_space<hbm>> -> memref<50x128xi32, #tpu.memory_space<hbm>>
      %dma_start3A_426 = arith.constant 0 : i32
      %dma_start3A_427 = arith.constant 0 : i32
      %dma_start3A_428 = tpu.memref_slice %arg2[%add3A, %dma_start3A_426, %dma_start3A_427] : memref<32x50x128xi32, #tpu.memory_space<hbm>> -> memref<1x50x128xi32, #tpu.memory_space<hbm>>
      %dma_start3A_429 = tpu.memref_squeeze %dma_start3A_428 : memref<1x50x128xi32, #tpu.memory_space<hbm>> -> memref<50x128xi32, #tpu.memory_space<hbm>>
      tpu.enqueue_dma source(%dma_start3A_429 : memref<50x128xi32, #tpu.memory_space<hbm>>) target(%arg5 : memref<50x128xi32, #tpu.memory_space<vmem>>) target_semaphore(%run_scoped3A : memref<!tpu.dma_semaphore, #tpu.memory_space<semaphore_mem>>)
      %dma_wait3A_430 = arith.constant 0 : i32
      %dma_wait3A_431 = arith.constant 0 : i32
      %dma_wait3A_432 = tpu.memref_slice %arg2[%add3A, %dma_wait3A_430, %dma_wait3A_431] : memref<32x50x128xi32, #tpu.memory_space<hbm>> -> memref<1x50x128xi32, #tpu.memory_space<hbm>>
      %dma_wait3A_433 = tpu.memref_squeeze %dma_wait3A_432 : memref<1x50x128xi32, #tpu.memory_space<hbm>> -> memref<50x128xi32, #tpu.memory_space<hbm>>
      %dma_wait3A_434 = arith.constant 0 : i32
      %dma_wait3A_435 = arith.constant 0 : i32
      %dma_wait3A_436 = tpu.memref_slice %arg2[%add3A, %dma_wait3A_434, %dma_wait3A_435] : memref<32x50x128xi32, #tpu.memory_space<hbm>> -> memref<1x50x128xi32, #tpu.memory_space<hbm>>
      %dma_wait3A_437 = tpu.memref_squeeze %dma_wait3A_436 : memref<1x50x128xi32, #tpu.memory_space<hbm>> -> memref<50x128xi32, #tpu.memory_space<hbm>>
      tpu.wait_dma2 semaphore(%run_scoped3A : memref<!tpu.dma_semaphore, #tpu.memory_space<semaphore_mem>>) src(%dma_wait3A_437 : memref<50x128xi32, #tpu.memory_space<hbm>>) dst(%arg5 : memref<50x128xi32, #tpu.memory_space<vmem>>)
      tpu.yield
    }) : () -> ()
    %dma_start3A = arith.constant 0 : i32
    %dma_start3A_3 = arith.constant 0 : i32
    %dma_start3A_4 = arith.constant 0 : i32
    %dma_start3A_5 = arith.constant 0 : i32
    %dma_start3A_6 = tpu.memref_slice %arg6[%dma_start3A_3, %dma_start3A_4, %dma_start3A_5] : memref<6x128x128xf32, #tpu.memory_space<vmem>> -> memref<1x128x128xf32, #tpu.memory_space<vmem>>
    %dma_start3A_7 = tpu.memref_squeeze %dma_start3A_6 : memref<1x128x128xf32, #tpu.memory_space<vmem>> -> memref<128x128xf32, #tpu.memory_space<vmem>>
    %dma_start3A_8 = arith.constant 0 : i32
    %dma_start3A_9 = tpu.memref_slice %arg5[%dma_start3A, %dma_start3A_8] : memref<50x128xi32, #tpu.memory_space<vmem>> -> memref<1x128xi32, #tpu.memory_space<vmem>>
    %dma_start3A_10 = tpu.memref_squeeze %dma_start3A_9 : memref<1x128xi32, #tpu.memory_space<vmem>> -> memref<128xi32, #tpu.memory_space<vmem>>
    %dma_start3A_11 = arith.constant 0 : i32
    %dma_start3A_12 = arith.constant 0 : i32
    %dma_start3A_13 = tpu.memref_slice %arg3[%dma_start3A_11, %dma_start3A_12] : memref<100000x128xf32, #tpu.memory_space<hbm>> -> memref<100000x128xf32, #tpu.memory_space<hbm>>
    tpu.enqueue_indirect_dma source(%dma_start3A_13 : memref<100000x128xf32, #tpu.memory_space<hbm>>) target(%dma_start3A_7 : memref<128x128xf32, #tpu.memory_space<vmem>>) offsets(%dma_start3A_10 : memref<128xi32, #tpu.memory_space<vmem>>) semaphore(%arg7 : memref<!tpu.dma_semaphore, #tpu.memory_space<semaphore_mem>>)
    %dma_start3A_14 = arith.constant 1 : i32
    %dma_start3A_15 = arith.constant 1 : i32
    %dma_start3A_16 = arith.constant 0 : i32
    %dma_start3A_17 = arith.constant 0 : i32
    %dma_start3A_18 = tpu.memref_slice %arg6[%dma_start3A_15, %dma_start3A_16, %dma_start3A_17] : memref<6x128x128xf32, #tpu.memory_space<vmem>> -> memref<1x128x128xf32, #tpu.memory_space<vmem>>
    %dma_start3A_19 = tpu.memref_squeeze %dma_start3A_18 : memref<1x128x128xf32, #tpu.memory_space<vmem>> -> memref<128x128xf32, #tpu.memory_space<vmem>>
    %dma_start3A_20 = arith.constant 0 : i32
    %dma_start3A_21 = tpu.memref_slice %arg5[%dma_start3A_14, %dma_start3A_20] : memref<50x128xi32, #tpu.memory_space<vmem>> -> memref<1x128xi32, #tpu.memory_space<vmem>>
    %dma_start3A_22 = tpu.memref_squeeze %dma_start3A_21 : memref<1x128xi32, #tpu.memory_space<vmem>> -> memref<128xi32, #tpu.memory_space<vmem>>
    %dma_start3A_23 = arith.constant 0 : i32
    %dma_start3A_24 = arith.constant 0 : i32
    %dma_start3A_25 = tpu.memref_slice %arg3[%dma_start3A_23, %dma_start3A_24] : memref<100000x128xf32, #tpu.memory_space<hbm>> -> memref<100000x128xf32, #tpu.memory_space<hbm>>
    tpu.enqueue_indirect_dma source(%dma_start3A_25 : memref<100000x128xf32, #tpu.memory_space<hbm>>) target(%dma_start3A_19 : memref<128x128xf32, #tpu.memory_space<vmem>>) offsets(%dma_start3A_22 : memref<128xi32, #tpu.memory_space<vmem>>) semaphore(%arg8 : memref<!tpu.dma_semaphore, #tpu.memory_space<semaphore_mem>>)
    %dma_start3A_26 = arith.constant 2 : i32
    %dma_start3A_27 = arith.constant 2 : i32
    %dma_start3A_28 = arith.constant 0 : i32
    %dma_start3A_29 = arith.constant 0 : i32
    %dma_start3A_30 = tpu.memref_slice %arg6[%dma_start3A_27, %dma_start3A_28, %dma_start3A_29] : memref<6x128x128xf32, #tpu.memory_space<vmem>> -> memref<1x128x128xf32, #tpu.memory_space<vmem>>
    %dma_start3A_31 = tpu.memref_squeeze %dma_start3A_30 : memref<1x128x128xf32, #tpu.memory_space<vmem>> -> memref<128x128xf32, #tpu.memory_space<vmem>>
    %dma_start3A_32 = arith.constant 0 : i32
    %dma_start3A_33 = tpu.memref_slice %arg5[%dma_start3A_26, %dma_start3A_32] : memref<50x128xi32, #tpu.memory_space<vmem>> -> memref<1x128xi32, #tpu.memory_space<vmem>>
    %dma_start3A_34 = tpu.memref_squeeze %dma_start3A_33 : memref<1x128xi32, #tpu.memory_space<vmem>> -> memref<128xi32, #tpu.memory_space<vmem>>
    %dma_start3A_35 = arith.constant 0 : i32
    %dma_start3A_36 = arith.constant 0 : i32
    %dma_start3A_37 = tpu.memref_slice %arg3[%dma_start3A_35, %dma_start3A_36] : memref<100000x128xf32, #tpu.memory_space<hbm>> -> memref<100000x128xf32, #tpu.memory_space<hbm>>
    tpu.enqueue_indirect_dma source(%dma_start3A_37 : memref<100000x128xf32, #tpu.memory_space<hbm>>) target(%dma_start3A_31 : memref<128x128xf32, #tpu.memory_space<vmem>>) offsets(%dma_start3A_34 : memref<128xi32, #tpu.memory_space<vmem>>) semaphore(%arg9 : memref<!tpu.dma_semaphore, #tpu.memory_space<semaphore_mem>>)
    %dma_start3A_38 = arith.constant 3 : i32
    %dma_start3A_39 = arith.constant 3 : i32
    %dma_start3A_40 = arith.constant 0 : i32
    %dma_start3A_41 = arith.constant 0 : i32
    %dma_start3A_42 = tpu.memref_slice %arg6[%dma_start3A_39, %dma_start3A_40, %dma_start3A_41] : memref<6x128x128xf32, #tpu.memory_space<vmem>> -> memref<1x128x128xf32, #tpu.memory_space<vmem>>
    %dma_start3A_43 = tpu.memref_squeeze %dma_start3A_42 : memref<1x128x128xf32, #tpu.memory_space<vmem>> -> memref<128x128xf32, #tpu.memory_space<vmem>>
    %dma_start3A_44 = arith.constant 0 : i32
    %dma_start3A_45 = tpu.memref_slice %arg5[%dma_start3A_38, %dma_start3A_44] : memref<50x128xi32, #tpu.memory_space<vmem>> -> memref<1x128xi32, #tpu.memory_space<vmem>>
    %dma_start3A_46 = tpu.memref_squeeze %dma_start3A_45 : memref<1x128xi32, #tpu.memory_space<vmem>> -> memref<128xi32, #tpu.memory_space<vmem>>
    %dma_start3A_47 = arith.constant 0 : i32
    %dma_start3A_48 = arith.constant 0 : i32
    %dma_start3A_49 = tpu.memref_slice %arg3[%dma_start3A_47, %dma_start3A_48] : memref<100000x128xf32, #tpu.memory_space<hbm>> -> memref<100000x128xf32, #tpu.memory_space<hbm>>
    tpu.enqueue_indirect_dma source(%dma_start3A_49 : memref<100000x128xf32, #tpu.memory_space<hbm>>) target(%dma_start3A_43 : memref<128x128xf32, #tpu.memory_space<vmem>>) offsets(%dma_start3A_46 : memref<128xi32, #tpu.memory_space<vmem>>) semaphore(%arg10 : memref<!tpu.dma_semaphore, #tpu.memory_space<semaphore_mem>>)
    %dma_start3A_50 = arith.constant 4 : i32
    %dma_start3A_51 = arith.constant 4 : i32
    %dma_start3A_52 = arith.constant 0 : i32
    %dma_start3A_53 = arith.constant 0 : i32
    %dma_start3A_54 = tpu.memref_slice %arg6[%dma_start3A_51, %dma_start3A_52, %dma_start3A_53] : memref<6x128x128xf32, #tpu.memory_space<vmem>> -> memref<1x128x128xf32, #tpu.memory_space<vmem>>
    %dma_start3A_55 = tpu.memref_squeeze %dma_start3A_54 : memref<1x128x128xf32, #tpu.memory_space<vmem>> -> memref<128x128xf32, #tpu.memory_space<vmem>>
    %dma_start3A_56 = arith.constant 0 : i32
    %dma_start3A_57 = tpu.memref_slice %arg5[%dma_start3A_50, %dma_start3A_56] : memref<50x128xi32, #tpu.memory_space<vmem>> -> memref<1x128xi32, #tpu.memory_space<vmem>>
    %dma_start3A_58 = tpu.memref_squeeze %dma_start3A_57 : memref<1x128xi32, #tpu.memory_space<vmem>> -> memref<128xi32, #tpu.memory_space<vmem>>
    %dma_start3A_59 = arith.constant 0 : i32
    %dma_start3A_60 = arith.constant 0 : i32
    %dma_start3A_61 = tpu.memref_slice %arg3[%dma_start3A_59, %dma_start3A_60] : memref<100000x128xf32, #tpu.memory_space<hbm>> -> memref<100000x128xf32, #tpu.memory_space<hbm>>
    tpu.enqueue_indirect_dma source(%dma_start3A_61 : memref<100000x128xf32, #tpu.memory_space<hbm>>) target(%dma_start3A_55 : memref<128x128xf32, #tpu.memory_space<vmem>>) offsets(%dma_start3A_58 : memref<128xi32, #tpu.memory_space<vmem>>) semaphore(%arg11 : memref<!tpu.dma_semaphore, #tpu.memory_space<semaphore_mem>>)
    %dma_wait3A = arith.constant 0 : i32
    %dma_wait3A_62 = arith.constant 0 : i32
    %dma_wait3A_63 = arith.constant 0 : i32
    %dma_wait3A_64 = arith.constant 0 : i32
    %dma_wait3A_65 = tpu.memref_slice %arg6[%dma_wait3A_62, %dma_wait3A_63, %dma_wait3A_64] : memref<6x128x128xf32, #tpu.memory_space<vmem>> -> memref<1x128x128xf32, #tpu.memory_space<vmem>>
    %dma_wait3A_66 = tpu.memref_squeeze %dma_wait3A_65 : memref<1x128x128xf32, #tpu.memory_space<vmem>> -> memref<128x128xf32, #tpu.memory_space<vmem>>
    %dma_wait3A_67 = arith.constant 0 : i32
    %dma_wait3A_68 = tpu.memref_slice %arg5[%dma_wait3A, %dma_wait3A_67] : memref<50x128xi32, #tpu.memory_space<vmem>> -> memref<1x128xi32, #tpu.memory_space<vmem>>
    %dma_wait3A_69 = tpu.memref_squeeze %dma_wait3A_68 : memref<1x128xi32, #tpu.memory_space<vmem>> -> memref<128xi32, #tpu.memory_space<vmem>>
    %dma_wait3A_70 = arith.constant 0 : i32
    %dma_wait3A_71 = arith.constant 0 : i32
    %dma_wait3A_72 = tpu.memref_slice %arg3[%dma_wait3A_70, %dma_wait3A_71] : memref<100000x128xf32, #tpu.memory_space<hbm>> -> memref<100000x128xf32, #tpu.memory_space<hbm>>
    tpu.wait_indirect_dma semaphore(%arg7 : memref<!tpu.dma_semaphore, #tpu.memory_space<semaphore_mem>>) src(%dma_wait3A_72 : memref<100000x128xf32, #tpu.memory_space<hbm>>) dst(%dma_wait3A_66 : memref<128x128xf32, #tpu.memory_space<vmem>>)
    %add3A_73 = arith.constant 0 : i32
    %add3A_74 = arith.addi %mul3A_2, %add3A_73 : i32
    %dma_start3A_75 = arith.constant 0 : i32
    %dma_start3A_76 = arith.constant 0 : i32
    %dma_start3A_77 = arith.constant 0 : i32
    %dma_start3A_78 = tpu.memref_slice %arg6[%dma_start3A_75, %dma_start3A_76, %dma_start3A_77] : memref<6x128x128xf32, #tpu.memory_space<vmem>> -> memref<1x128x128xf32, #tpu.memory_space<vmem>>
    %dma_start3A_79 = tpu.memref_squeeze %dma_start3A_78 : memref<1x128x128xf32, #tpu.memory_space<vmem>> -> memref<128x128xf32, #tpu.memory_space<vmem>>
    %dma_start3A_80 = arith.constant 0 : i32
    %dma_start3A_81 = tpu.memref_slice %arg4[%add3A_74, %dma_start3A_80] : memref<204800x128xf32, #tpu.memory_space<hbm>> -> memref<128x128xf32, #tpu.memory_space<hbm>>
    %dma_start3A_82 = arith.constant 0 : i32
    %dma_start3A_83 = tpu.memref_slice %arg4[%add3A_74, %dma_start3A_82] : memref<204800x128xf32, #tpu.memory_space<hbm>> -> memref<128x128xf32, #tpu.memory_space<hbm>>
    %dma_start3A_84 = arith.constant 0 : i32
    %dma_start3A_85 = arith.constant 0 : i32
    %dma_start3A_86 = tpu.memref_slice %arg6[%dma_start3A_75, %dma_start3A_84, %dma_start3A_85] : memref<6x128x128xf32, #tpu.memory_space<vmem>> -> memref<1x128x128xf32, #tpu.memory_space<vmem>>
    %dma_start3A_87 = tpu.memref_squeeze %dma_start3A_86 : memref<1x128x128xf32, #tpu.memory_space<vmem>> -> memref<128x128xf32, #tpu.memory_space<vmem>>
    tpu.enqueue_dma source(%dma_start3A_87 : memref<128x128xf32, #tpu.memory_space<vmem>>) target(%dma_start3A_83 : memref<128x128xf32, #tpu.memory_space<hbm>>) target_semaphore(%arg13 : memref<!tpu.dma_semaphore, #tpu.memory_space<semaphore_mem>>)
    %dma_start3A_88 = arith.constant 5 : i32
    %dma_start3A_89 = arith.constant 5 : i32
    %dma_start3A_90 = arith.constant 0 : i32
    %dma_start3A_91 = arith.constant 0 : i32
    %dma_start3A_92 = tpu.memref_slice %arg6[%dma_start3A_89, %dma_start3A_90, %dma_start3A_91] : memref<6x128x128xf32, #tpu.memory_space<vmem>> -> memref<1x128x128xf32, #tpu.memory_space<vmem>>
    %dma_start3A_93 = tpu.memref_squeeze %dma_start3A_92 : memref<1x128x128xf32, #tpu.memory_space<vmem>> -> memref<128x128xf32, #tpu.memory_space<vmem>>
    %dma_start3A_94 = arith.constant 0 : i32
    %dma_start3A_95 = tpu.memref_slice %arg5[%dma_start3A_88, %dma_start3A_94] : memref<50x128xi32, #tpu.memory_space<vmem>> -> memref<1x128xi32, #tpu.memory_space<vmem>>
    %dma_start3A_96 = tpu.memref_squeeze %dma_start3A_95 : memref<1x128xi32, #tpu.memory_space<vmem>> -> memref<128xi32, #tpu.memory_space<vmem>>
    %dma_start3A_97 = arith.constant 0 : i32
    %dma_start3A_98 = arith.constant 0 : i32
    %dma_start3A_99 = tpu.memref_slice %arg3[%dma_start3A_97, %dma_start3A_98] : memref<100000x128xf32, #tpu.memory_space<hbm>> -> memref<100000x128xf32, #tpu.memory_space<hbm>>
    tpu.enqueue_indirect_dma source(%dma_start3A_99 : memref<100000x128xf32, #tpu.memory_space<hbm>>) target(%dma_start3A_93 : memref<128x128xf32, #tpu.memory_space<vmem>>) offsets(%dma_start3A_96 : memref<128xi32, #tpu.memory_space<vmem>>) semaphore(%arg12 : memref<!tpu.dma_semaphore, #tpu.memory_space<semaphore_mem>>)
    %dma_wait3A_100 = arith.constant 0 : i32
    %dma_wait3A_101 = arith.constant 1 : i32
    %dma_wait3A_102 = arith.constant 0 : i32
    %dma_wait3A_103 = arith.constant 0 : i32
    %dma_wait3A_104 = tpu.memref_slice %arg6[%dma_wait3A_101, %dma_wait3A_102, %dma_wait3A_103] : memref<6x128x128xf32, #tpu.memory_space<vmem>> -> memref<1x128x128xf32, #tpu.memory_space<vmem>>
    %dma_wait3A_105 = tpu.memref_squeeze %dma_wait3A_104 : memref<1x128x128xf32, #tpu.memory_space<vmem>> -> memref<128x128xf32, #tpu.memory_space<vmem>>
    %dma_wait3A_106 = arith.constant 0 : i32
    %dma_wait3A_107 = tpu.memref_slice %arg5[%dma_wait3A_100, %dma_wait3A_106] : memref<50x128xi32, #tpu.memory_space<vmem>> -> memref<1x128xi32, #tpu.memory_space<vmem>>
    %dma_wait3A_108 = tpu.memref_squeeze %dma_wait3A_107 : memref<1x128xi32, #tpu.memory_space<vmem>> -> memref<128xi32, #tpu.memory_space<vmem>>
    %dma_wait3A_109 = arith.constant 0 : i32
    %dma_wait3A_110 = arith.constant 0 : i32
    %dma_wait3A_111 = tpu.memref_slice %arg3[%dma_wait3A_109, %dma_wait3A_110] : memref<100000x128xf32, #tpu.memory_space<hbm>> -> memref<100000x128xf32, #tpu.memory_space<hbm>>
    tpu.wait_indirect_dma semaphore(%arg8 : memref<!tpu.dma_semaphore, #tpu.memory_space<semaphore_mem>>) src(%dma_wait3A_111 : memref<100000x128xf32, #tpu.memory_space<hbm>>) dst(%dma_wait3A_105 : memref<128x128xf32, #tpu.memory_space<vmem>>)
    %add3A_112 = arith.constant 128 : i32
    %add3A_113 = arith.addi %mul3A_2, %add3A_112 : i32
    %dma_start3A_114 = arith.constant 1 : i32
    %dma_start3A_115 = arith.constant 0 : i32
    %dma_start3A_116 = arith.constant 0 : i32
    %dma_start3A_117 = tpu.memref_slice %arg6[%dma_start3A_114, %dma_start3A_115, %dma_start3A_116] : memref<6x128x128xf32, #tpu.memory_space<vmem>> -> memref<1x128x128xf32, #tpu.memory_space<vmem>>
    %dma_start3A_118 = tpu.memref_squeeze %dma_start3A_117 : memref<1x128x128xf32, #tpu.memory_space<vmem>> -> memref<128x128xf32, #tpu.memory_space<vmem>>
    %dma_start3A_119 = arith.constant 0 : i32
    %dma_start3A_120 = tpu.memref_slice %arg4[%add3A_113, %dma_start3A_119] : memref<204800x128xf32, #tpu.memory_space<hbm>> -> memref<128x128xf32, #tpu.memory_space<hbm>>
    %dma_start3A_121 = arith.constant 0 : i32
    %dma_start3A_122 = tpu.memref_slice %arg4[%add3A_113, %dma_start3A_121] : memref<204800x128xf32, #tpu.memory_space<hbm>> -> memref<128x128xf32, #tpu.memory_space<hbm>>
    %dma_start3A_123 = arith.constant 0 : i32
    %dma_start3A_124 = arith.constant 0 : i32
    %dma_start3A_125 = tpu.memref_slice %arg6[%dma_start3A_114, %dma_start3A_123, %dma_start3A_124] : memref<6x128x128xf32, #tpu.memory_space<vmem>> -> memref<1x128x128xf32, #tpu.memory_space<vmem>>
    %dma_start3A_126 = tpu.memref_squeeze %dma_start3A_125 : memref<1x128x128xf32, #tpu.memory_space<vmem>> -> memref<128x128xf32, #tpu.memory_space<vmem>>
    tpu.enqueue_dma source(%dma_start3A_126 : memref<128x128xf32, #tpu.memory_space<vmem>>) target(%dma_start3A_122 : memref<128x128xf32, #tpu.memory_space<hbm>>) target_semaphore(%arg14 : memref<!tpu.dma_semaphore, #tpu.memory_space<semaphore_mem>>)
    %scan3A = arith.constant 0 : i32
    %scan3A_127 = arith.constant 0 : i32
    %scan3A_128 = arith.constant 7 : i32
    %scan3A_129 = arith.addi %scan3A_127, %scan3A_128 : i32
    %scan3A_130 = arith.constant 1 : i32
    scf.for %scan3A_422 = %scan3A_127 to %scan3A_129 step %scan3A_130  : i32 {
      %mul3A_423 = arith.constant 6 : i32
      %mul3A_424 = arith.muli %scan3A_422, %mul3A_423 : i32
      %add3A_425 = arith.constant 2 : i32
      %add3A_426 = arith.addi %add3A_425, %mul3A_424 : i32
      %add3A_427 = arith.constant 0 : i32
      %add3A_428 = arith.addi %add3A_426, %add3A_427 : i32
      %add3A_429 = arith.constant 4 : i32
      %add3A_430 = arith.addi %add3A_428, %add3A_429 : i32
      %dma_wait3A_431 = arith.constant 0 : i32
      %dma_wait3A_432 = arith.constant 0 : i32
      %dma_wait3A_433 = arith.constant 0 : i32
      %dma_wait3A_434 = tpu.memref_slice %arg6[%dma_wait3A_431, %dma_wait3A_432, %dma_wait3A_433] : memref<6x128x128xf32, #tpu.memory_space<vmem>> -> memref<1x128x128xf32, #tpu.memory_space<vmem>>
      %dma_wait3A_435 = tpu.memref_squeeze %dma_wait3A_434 : memref<1x128x128xf32, #tpu.memory_space<vmem>> -> memref<128x128xf32, #tpu.memory_space<vmem>>
      %dma_wait3A_436 = arith.constant 0 : i32
      %dma_wait3A_437 = tpu.memref_slice %arg4[%mul3A_2, %dma_wait3A_436] : memref<204800x128xf32, #tpu.memory_space<hbm>> -> memref<128x128xf32, #tpu.memory_space<hbm>>
      %dma_wait3A_438 = arith.constant 0 : i32
      %dma_wait3A_439 = tpu.memref_slice %arg4[%mul3A_2, %dma_wait3A_438] : memref<204800x128xf32, #tpu.memory_space<hbm>> -> memref<128x128xf32, #tpu.memory_space<hbm>>
      %dma_wait3A_440 = arith.constant 0 : i32
      %dma_wait3A_441 = arith.constant 0 : i32
      %dma_wait3A_442 = tpu.memref_slice %arg6[%dma_wait3A_431, %dma_wait3A_440, %dma_wait3A_441] : memref<6x128x128xf32, #tpu.memory_space<vmem>> -> memref<1x128x128xf32, #tpu.memory_space<vmem>>
      %dma_wait3A_443 = tpu.memref_squeeze %dma_wait3A_442 : memref<1x128x128xf32, #tpu.memory_space<vmem>> -> memref<128x128xf32, #tpu.memory_space<vmem>>
      tpu.wait_dma2 semaphore(%arg13 : memref<!tpu.dma_semaphore, #tpu.memory_space<semaphore_mem>>) src(%dma_wait3A_443 : memref<128x128xf32, #tpu.memory_space<vmem>>) dst(%dma_wait3A_439 : memref<128x128xf32, #tpu.memory_space<hbm>>)
      %dma_start3A_444 = arith.constant 0 : i32
      %dma_start3A_445 = arith.constant 0 : i32
      %dma_start3A_446 = arith.constant 0 : i32
      %dma_start3A_447 = tpu.memref_slice %arg6[%dma_start3A_444, %dma_start3A_445, %dma_start3A_446] : memref<6x128x128xf32, #tpu.memory_space<vmem>> -> memref<1x128x128xf32, #tpu.memory_space<vmem>>
      %dma_start3A_448 = tpu.memref_squeeze %dma_start3A_447 : memref<1x128x128xf32, #tpu.memory_space<vmem>> -> memref<128x128xf32, #tpu.memory_space<vmem>>
      %dma_start3A_449 = arith.constant 0 : i32
      %dma_start3A_450 = tpu.memref_slice %arg5[%add3A_430, %dma_start3A_449] : memref<50x128xi32, #tpu.memory_space<vmem>> -> memref<1x128xi32, #tpu.memory_space<vmem>>
      %dma_start3A_451 = tpu.memref_squeeze %dma_start3A_450 : memref<1x128xi32, #tpu.memory_space<vmem>> -> memref<128xi32, #tpu.memory_space<vmem>>
      %dma_start3A_452 = arith.constant 0 : i32
      %dma_start3A_453 = arith.constant 0 : i32
      %dma_start3A_454 = tpu.memref_slice %arg3[%dma_start3A_452, %dma_start3A_453] : memref<100000x128xf32, #tpu.memory_space<hbm>> -> memref<100000x128xf32, #tpu.memory_space<hbm>>
      tpu.enqueue_indirect_dma source(%dma_start3A_454 : memref<100000x128xf32, #tpu.memory_space<hbm>>) target(%dma_start3A_448 : memref<128x128xf32, #tpu.memory_space<vmem>>) offsets(%dma_start3A_451 : memref<128xi32, #tpu.memory_space<vmem>>) semaphore(%arg7 : memref<!tpu.dma_semaphore, #tpu.memory_space<semaphore_mem>>)
      %dma_wait3A_455 = arith.constant 0 : i32
      %dma_wait3A_456 = arith.constant 2 : i32
      %dma_wait3A_457 = arith.constant 0 : i32
      %dma_wait3A_458 = arith.constant 0 : i32
      %dma_wait3A_459 = tpu.memref_slice %arg6[%dma_wait3A_456, %dma_wait3A_457, %dma_wait3A_458] : memref<6x128x128xf32, #tpu.memory_space<vmem>> -> memref<1x128x128xf32, #tpu.memory_space<vmem>>
      %dma_wait3A_460 = tpu.memref_squeeze %dma_wait3A_459 : memref<1x128x128xf32, #tpu.memory_space<vmem>> -> memref<128x128xf32, #tpu.memory_space<vmem>>
      %dma_wait3A_461 = arith.constant 0 : i32
      %dma_wait3A_462 = tpu.memref_slice %arg5[%dma_wait3A_455, %dma_wait3A_461] : memref<50x128xi32, #tpu.memory_space<vmem>> -> memref<1x128xi32, #tpu.memory_space<vmem>>
      %dma_wait3A_463 = tpu.memref_squeeze %dma_wait3A_462 : memref<1x128xi32, #tpu.memory_space<vmem>> -> memref<128xi32, #tpu.memory_space<vmem>>
      %dma_wait3A_464 = arith.constant 0 : i32
      %dma_wait3A_465 = arith.constant 0 : i32
      %dma_wait3A_466 = tpu.memref_slice %arg3[%dma_wait3A_464, %dma_wait3A_465] : memref<100000x128xf32, #tpu.memory_space<hbm>> -> memref<100000x128xf32, #tpu.memory_space<hbm>>
      tpu.wait_indirect_dma semaphore(%arg9 : memref<!tpu.dma_semaphore, #tpu.memory_space<semaphore_mem>>) src(%dma_wait3A_466 : memref<100000x128xf32, #tpu.memory_space<hbm>>) dst(%dma_wait3A_460 : memref<128x128xf32, #tpu.memory_space<vmem>>)
      %mul3A_467 = arith.constant 128 : i32
      %mul3A_468 = arith.muli %add3A_428, %mul3A_467 : i32
      %add3A_469 = arith.addi %mul3A_2, %mul3A_468 : i32
      %dma_start3A_470 = arith.constant 2 : i32
      %dma_start3A_471 = arith.constant 0 : i32
      %dma_start3A_472 = arith.constant 0 : i32
      %dma_start3A_473 = tpu.memref_slice %arg6[%dma_start3A_470, %dma_start3A_471, %dma_start3A_472] : memref<6x128x128xf32, #tpu.memory_space<vmem>> -> memref<1x128x128xf32, #tpu.memory_space<vmem>>
      %dma_start3A_474 = tpu.memref_squeeze %dma_start3A_473 : memref<1x128x128xf32, #tpu.memory_space<vmem>> -> memref<128x128xf32, #tpu.memory_space<vmem>>
      %dma_start3A_475 = arith.constant 0 : i32
      %dma_start3A_476 = tpu.memref_slice %arg4[%add3A_469, %dma_start3A_475] : memref<204800x128xf32, #tpu.memory_space<hbm>> -> memref<128x128xf32, #tpu.memory_space<hbm>>
      %dma_start3A_477 = arith.constant 0 : i32
      %dma_start3A_478 = tpu.memref_slice %arg4[%add3A_469, %dma_start3A_477] : memref<204800x128xf32, #tpu.memory_space<hbm>> -> memref<128x128xf32, #tpu.memory_space<hbm>>
      %dma_start3A_479 = arith.constant 0 : i32
      %dma_start3A_480 = arith.constant 0 : i32
      %dma_start3A_481 = tpu.memref_slice %arg6[%dma_start3A_470, %dma_start3A_479, %dma_start3A_480] : memref<6x128x128xf32, #tpu.memory_space<vmem>> -> memref<1x128x128xf32, #tpu.memory_space<vmem>>
      %dma_start3A_482 = tpu.memref_squeeze %dma_start3A_481 : memref<1x128x128xf32, #tpu.memory_space<vmem>> -> memref<128x128xf32, #tpu.memory_space<vmem>>
      tpu.enqueue_dma source(%dma_start3A_482 : memref<128x128xf32, #tpu.memory_space<vmem>>) target(%dma_start3A_478 : memref<128x128xf32, #tpu.memory_space<hbm>>) target_semaphore(%arg15 : memref<!tpu.dma_semaphore, #tpu.memory_space<semaphore_mem>>)
      %add3A_483 = arith.constant 1 : i32
      %add3A_484 = arith.addi %add3A_426, %add3A_483 : i32
      %add3A_485 = arith.constant 4 : i32
      %add3A_486 = arith.addi %add3A_484, %add3A_485 : i32
      %dma_wait3A_487 = arith.constant 1 : i32
      %dma_wait3A_488 = arith.constant 0 : i32
      %dma_wait3A_489 = arith.constant 0 : i32
      %dma_wait3A_490 = tpu.memref_slice %arg6[%dma_wait3A_487, %dma_wait3A_488, %dma_wait3A_489] : memref<6x128x128xf32, #tpu.memory_space<vmem>> -> memref<1x128x128xf32, #tpu.memory_space<vmem>>
      %dma_wait3A_491 = tpu.memref_squeeze %dma_wait3A_490 : memref<1x128x128xf32, #tpu.memory_space<vmem>> -> memref<128x128xf32, #tpu.memory_space<vmem>>
      %dma_wait3A_492 = arith.constant 0 : i32
      %dma_wait3A_493 = tpu.memref_slice %arg4[%mul3A_2, %dma_wait3A_492] : memref<204800x128xf32, #tpu.memory_space<hbm>> -> memref<128x128xf32, #tpu.memory_space<hbm>>
      %dma_wait3A_494 = arith.constant 0 : i32
      %dma_wait3A_495 = tpu.memref_slice %arg4[%mul3A_2, %dma_wait3A_494] : memref<204800x128xf32, #tpu.memory_space<hbm>> -> memref<128x128xf32, #tpu.memory_space<hbm>>
      %dma_wait3A_496 = arith.constant 0 : i32
      %dma_wait3A_497 = arith.constant 0 : i32
      %dma_wait3A_498 = tpu.memref_slice %arg6[%dma_wait3A_487, %dma_wait3A_496, %dma_wait3A_497] : memref<6x128x128xf32, #tpu.memory_space<vmem>> -> memref<1x128x128xf32, #tpu.memory_space<vmem>>
      %dma_wait3A_499 = tpu.memref_squeeze %dma_wait3A_498 : memref<1x128x128xf32, #tpu.memory_space<vmem>> -> memref<128x128xf32, #tpu.memory_space<vmem>>
      tpu.wait_dma2 semaphore(%arg14 : memref<!tpu.dma_semaphore, #tpu.memory_space<semaphore_mem>>) src(%dma_wait3A_499 : memref<128x128xf32, #tpu.memory_space<vmem>>) dst(%dma_wait3A_495 : memref<128x128xf32, #tpu.memory_space<hbm>>)
      %dma_start3A_500 = arith.constant 1 : i32
      %dma_start3A_501 = arith.constant 0 : i32
      %dma_start3A_502 = arith.constant 0 : i32
      %dma_start3A_503 = tpu.memref_slice %arg6[%dma_start3A_500, %dma_start3A_501, %dma_start3A_502] : memref<6x128x128xf32, #tpu.memory_space<vmem>> -> memref<1x128x128xf32, #tpu.memory_space<vmem>>
      %dma_start3A_504 = tpu.memref_squeeze %dma_start3A_503 : memref<1x128x128xf32, #tpu.memory_space<vmem>> -> memref<128x128xf32, #tpu.memory_space<vmem>>
      %dma_start3A_505 = arith.constant 0 : i32
      %dma_start3A_506 = tpu.memref_slice %arg5[%add3A_486, %dma_start3A_505] : memref<50x128xi32, #tpu.memory_space<vmem>> -> memref<1x128xi32, #tpu.memory_space<vmem>>
      %dma_start3A_507 = tpu.memref_squeeze %dma_start3A_506 : memref<1x128xi32, #tpu.memory_space<vmem>> -> memref<128xi32, #tpu.memory_space<vmem>>
      %dma_start3A_508 = arith.constant 0 : i32
      %dma_start3A_509 = arith.constant 0 : i32
      %dma_start3A_510 = tpu.memref_slice %arg3[%dma_start3A_508, %dma_start3A_509] : memref<100000x128xf32, #tpu.memory_space<hbm>> -> memref<100000x128xf32, #tpu.memory_space<hbm>>
      tpu.enqueue_indirect_dma source(%dma_start3A_510 : memref<100000x128xf32, #tpu.memory_space<hbm>>) target(%dma_start3A_504 : memref<128x128xf32, #tpu.memory_space<vmem>>) offsets(%dma_start3A_507 : memref<128xi32, #tpu.memory_space<vmem>>) semaphore(%arg8 : memref<!tpu.dma_semaphore, #tpu.memory_space<semaphore_mem>>)
      %dma_wait3A_511 = arith.constant 0 : i32
      %dma_wait3A_512 = arith.constant 3 : i32
      %dma_wait3A_513 = arith.constant 0 : i32
      %dma_wait3A_514 = arith.constant 0 : i32
      %dma_wait3A_515 = tpu.memref_slice %arg6[%dma_wait3A_512, %dma_wait3A_513, %dma_wait3A_514] : memref<6x128x128xf32, #tpu.memory_space<vmem>> -> memref<1x128x128xf32, #tpu.memory_space<vmem>>
      %dma_wait3A_516 = tpu.memref_squeeze %dma_wait3A_515 : memref<1x128x128xf32, #tpu.memory_space<vmem>> -> memref<128x128xf32, #tpu.memory_space<vmem>>
      %dma_wait3A_517 = arith.constant 0 : i32
      %dma_wait3A_518 = tpu.memref_slice %arg5[%dma_wait3A_511, %dma_wait3A_517] : memref<50x128xi32, #tpu.memory_space<vmem>> -> memref<1x128xi32, #tpu.memory_space<vmem>>
      %dma_wait3A_519 = tpu.memref_squeeze %dma_wait3A_518 : memref<1x128xi32, #tpu.memory_space<vmem>> -> memref<128xi32, #tpu.memory_space<vmem>>
      %dma_wait3A_520 = arith.constant 0 : i32
      %dma_wait3A_521 = arith.constant 0 : i32
      %dma_wait3A_522 = tpu.memref_slice %arg3[%dma_wait3A_520, %dma_wait3A_521] : memref<100000x128xf32, #tpu.memory_space<hbm>> -> memref<100000x128xf32, #tpu.memory_space<hbm>>
      tpu.wait_indirect_dma semaphore(%arg10 : memref<!tpu.dma_semaphore, #tpu.memory_space<semaphore_mem>>) src(%dma_wait3A_522 : memref<100000x128xf32, #tpu.memory_space<hbm>>) dst(%dma_wait3A_516 : memref<128x128xf32, #tpu.memory_space<vmem>>)
      %mul3A_523 = arith.constant 128 : i32
      %mul3A_524 = arith.muli %add3A_484, %mul3A_523 : i32
      %add3A_525 = arith.addi %mul3A_2, %mul3A_524 : i32
      %dma_start3A_526 = arith.constant 3 : i32
      %dma_start3A_527 = arith.constant 0 : i32
      %dma_start3A_528 = arith.constant 0 : i32
      %dma_start3A_529 = tpu.memref_slice %arg6[%dma_start3A_526, %dma_start3A_527, %dma_start3A_528] : memref<6x128x128xf32, #tpu.memory_space<vmem>> -> memref<1x128x128xf32, #tpu.memory_space<vmem>>
      %dma_start3A_530 = tpu.memref_squeeze %dma_start3A_529 : memref<1x128x128xf32, #tpu.memory_space<vmem>> -> memref<128x128xf32, #tpu.memory_space<vmem>>
      %dma_start3A_531 = arith.constant 0 : i32
      %dma_start3A_532 = tpu.memref_slice %arg4[%add3A_525, %dma_start3A_531] : memref<204800x128xf32, #tpu.memory_space<hbm>> -> memref<128x128xf32, #tpu.memory_space<hbm>>
      %dma_start3A_533 = arith.constant 0 : i32
      %dma_start3A_534 = tpu.memref_slice %arg4[%add3A_525, %dma_start3A_533] : memref<204800x128xf32, #tpu.memory_space<hbm>> -> memref<128x128xf32, #tpu.memory_space<hbm>>
      %dma_start3A_535 = arith.constant 0 : i32
      %dma_start3A_536 = arith.constant 0 : i32
      %dma_start3A_537 = tpu.memref_slice %arg6[%dma_start3A_526, %dma_start3A_535, %dma_start3A_536] : memref<6x128x128xf32, #tpu.memory_space<vmem>> -> memref<1x128x128xf32, #tpu.memory_space<vmem>>
      %dma_start3A_538 = tpu.memref_squeeze %dma_start3A_537 : memref<1x128x128xf32, #tpu.memory_space<vmem>> -> memref<128x128xf32, #tpu.memory_space<vmem>>
      tpu.enqueue_dma source(%dma_start3A_538 : memref<128x128xf32, #tpu.memory_space<vmem>>) target(%dma_start3A_534 : memref<128x128xf32, #tpu.memory_space<hbm>>) target_semaphore(%arg16 : memref<!tpu.dma_semaphore, #tpu.memory_space<semaphore_mem>>)
      %add3A_539 = arith.constant 2 : i32
      %add3A_540 = arith.addi %add3A_426, %add3A_539 : i32
      %add3A_541 = arith.constant 4 : i32
      %add3A_542 = arith.addi %add3A_540, %add3A_541 : i32
      %dma_wait3A_543 = arith.constant 2 : i32
      %dma_wait3A_544 = arith.constant 0 : i32
      %dma_wait3A_545 = arith.constant 0 : i32
      %dma_wait3A_546 = tpu.memref_slice %arg6[%dma_wait3A_543, %dma_wait3A_544, %dma_wait3A_545] : memref<6x128x128xf32, #tpu.memory_space<vmem>> -> memref<1x128x128xf32, #tpu.memory_space<vmem>>
      %dma_wait3A_547 = tpu.memref_squeeze %dma_wait3A_546 : memref<1x128x128xf32, #tpu.memory_space<vmem>> -> memref<128x128xf32, #tpu.memory_space<vmem>>
      %dma_wait3A_548 = arith.constant 0 : i32
      %dma_wait3A_549 = tpu.memref_slice %arg4[%mul3A_2, %dma_wait3A_548] : memref<204800x128xf32, #tpu.memory_space<hbm>> -> memref<128x128xf32, #tpu.memory_space<hbm>>
      %dma_wait3A_550 = arith.constant 0 : i32
      %dma_wait3A_551 = tpu.memref_slice %arg4[%mul3A_2, %dma_wait3A_550] : memref<204800x128xf32, #tpu.memory_space<hbm>> -> memref<128x128xf32, #tpu.memory_space<hbm>>
      %dma_wait3A_552 = arith.constant 0 : i32
      %dma_wait3A_553 = arith.constant 0 : i32
      %dma_wait3A_554 = tpu.memref_slice %arg6[%dma_wait3A_543, %dma_wait3A_552, %dma_wait3A_553] : memref<6x128x128xf32, #tpu.memory_space<vmem>> -> memref<1x128x128xf32, #tpu.memory_space<vmem>>
      %dma_wait3A_555 = tpu.memref_squeeze %dma_wait3A_554 : memref<1x128x128xf32, #tpu.memory_space<vmem>> -> memref<128x128xf32, #tpu.memory_space<vmem>>
      tpu.wait_dma2 semaphore(%arg15 : memref<!tpu.dma_semaphore, #tpu.memory_space<semaphore_mem>>) src(%dma_wait3A_555 : memref<128x128xf32, #tpu.memory_space<vmem>>) dst(%dma_wait3A_551 : memref<128x128xf32, #tpu.memory_space<hbm>>)
      %dma_start3A_556 = arith.constant 2 : i32
      %dma_start3A_557 = arith.constant 0 : i32
      %dma_start3A_558 = arith.constant 0 : i32
      %dma_start3A_559 = tpu.memref_slice %arg6[%dma_start3A_556, %dma_start3A_557, %dma_start3A_558] : memref<6x128x128xf32, #tpu.memory_space<vmem>> -> memref<1x128x128xf32, #tpu.memory_space<vmem>>
      %dma_start3A_560 = tpu.memref_squeeze %dma_start3A_559 : memref<1x128x128xf32, #tpu.memory_space<vmem>> -> memref<128x128xf32, #tpu.memory_space<vmem>>
      %dma_start3A_561 = arith.constant 0 : i32
      %dma_start3A_562 = tpu.memref_slice %arg5[%add3A_542, %dma_start3A_561] : memref<50x128xi32, #tpu.memory_space<vmem>> -> memref<1x128xi32, #tpu.memory_space<vmem>>
      %dma_start3A_563 = tpu.memref_squeeze %dma_start3A_562 : memref<1x128xi32, #tpu.memory_space<vmem>> -> memref<128xi32, #tpu.memory_space<vmem>>
      %dma_start3A_564 = arith.constant 0 : i32
      %dma_start3A_565 = arith.constant 0 : i32
      %dma_start3A_566 = tpu.memref_slice %arg3[%dma_start3A_564, %dma_start3A_565] : memref<100000x128xf32, #tpu.memory_space<hbm>> -> memref<100000x128xf32, #tpu.memory_space<hbm>>
      tpu.enqueue_indirect_dma source(%dma_start3A_566 : memref<100000x128xf32, #tpu.memory_space<hbm>>) target(%dma_start3A_560 : memref<128x128xf32, #tpu.memory_space<vmem>>) offsets(%dma_start3A_563 : memref<128xi32, #tpu.memory_space<vmem>>) semaphore(%arg9 : memref<!tpu.dma_semaphore, #tpu.memory_space<semaphore_mem>>)
      %dma_wait3A_567 = arith.constant 0 : i32
      %dma_wait3A_568 = arith.constant 4 : i32
      %dma_wait3A_569 = arith.constant 0 : i32
      %dma_wait3A_570 = arith.constant 0 : i32
      %dma_wait3A_571 = tpu.memref_slice %arg6[%dma_wait3A_568, %dma_wait3A_569, %dma_wait3A_570] : memref<6x128x128xf32, #tpu.memory_space<vmem>> -> memref<1x128x128xf32, #tpu.memory_space<vmem>>
      %dma_wait3A_572 = tpu.memref_squeeze %dma_wait3A_571 : memref<1x128x128xf32, #tpu.memory_space<vmem>> -> memref<128x128xf32, #tpu.memory_space<vmem>>
      %dma_wait3A_573 = arith.constant 0 : i32
      %dma_wait3A_574 = tpu.memref_slice %arg5[%dma_wait3A_567, %dma_wait3A_573] : memref<50x128xi32, #tpu.memory_space<vmem>> -> memref<1x128xi32, #tpu.memory_space<vmem>>
      %dma_wait3A_575 = tpu.memref_squeeze %dma_wait3A_574 : memref<1x128xi32, #tpu.memory_space<vmem>> -> memref<128xi32, #tpu.memory_space<vmem>>
      %dma_wait3A_576 = arith.constant 0 : i32
      %dma_wait3A_577 = arith.constant 0 : i32
      %dma_wait3A_578 = tpu.memref_slice %arg3[%dma_wait3A_576, %dma_wait3A_577] : memref<100000x128xf32, #tpu.memory_space<hbm>> -> memref<100000x128xf32, #tpu.memory_space<hbm>>
      tpu.wait_indirect_dma semaphore(%arg11 : memref<!tpu.dma_semaphore, #tpu.memory_space<semaphore_mem>>) src(%dma_wait3A_578 : memref<100000x128xf32, #tpu.memory_space<hbm>>) dst(%dma_wait3A_572 : memref<128x128xf32, #tpu.memory_space<vmem>>)
      %mul3A_579 = arith.constant 128 : i32
      %mul3A_580 = arith.muli %add3A_540, %mul3A_579 : i32
      %add3A_581 = arith.addi %mul3A_2, %mul3A_580 : i32
      %dma_start3A_582 = arith.constant 4 : i32
      %dma_start3A_583 = arith.constant 0 : i32
      %dma_start3A_584 = arith.constant 0 : i32
      %dma_start3A_585 = tpu.memref_slice %arg6[%dma_start3A_582, %dma_start3A_583, %dma_start3A_584] : memref<6x128x128xf32, #tpu.memory_space<vmem>> -> memref<1x128x128xf32, #tpu.memory_space<vmem>>
      %dma_start3A_586 = tpu.memref_squeeze %dma_start3A_585 : memref<1x128x128xf32, #tpu.memory_space<vmem>> -> memref<128x128xf32, #tpu.memory_space<vmem>>
      %dma_start3A_587 = arith.constant 0 : i32
      %dma_start3A_588 = tpu.memref_slice %arg4[%add3A_581, %dma_start3A_587] : memref<204800x128xf32, #tpu.memory_space<hbm>> -> memref<128x128xf32, #tpu.memory_space<hbm>>
      %dma_start3A_589 = arith.constant 0 : i32
      %dma_start3A_590 = tpu.memref_slice %arg4[%add3A_581, %dma_start3A_589] : memref<204800x128xf32, #tpu.memory_space<hbm>> -> memref<128x128xf32, #tpu.memory_space<hbm>>
      %dma_start3A_591 = arith.constant 0 : i32
      %dma_start3A_592 = arith.constant 0 : i32
      %dma_start3A_593 = tpu.memref_slice %arg6[%dma_start3A_582, %dma_start3A_591, %dma_start3A_592] : memref<6x128x128xf32, #tpu.memory_space<vmem>> -> memref<1x128x128xf32, #tpu.memory_space<vmem>>
      %dma_start3A_594 = tpu.memref_squeeze %dma_start3A_593 : memref<1x128x128xf32, #tpu.memory_space<vmem>> -> memref<128x128xf32, #tpu.memory_space<vmem>>
      tpu.enqueue_dma source(%dma_start3A_594 : memref<128x128xf32, #tpu.memory_space<vmem>>) target(%dma_start3A_590 : memref<128x128xf32, #tpu.memory_space<hbm>>) target_semaphore(%arg17 : memref<!tpu.dma_semaphore, #tpu.memory_space<semaphore_mem>>)
      %add3A_595 = arith.constant 3 : i32
      %add3A_596 = arith.addi %add3A_426, %add3A_595 : i32
      %add3A_597 = arith.constant 4 : i32
      %add3A_598 = arith.addi %add3A_596, %add3A_597 : i32
      %dma_wait3A_599 = arith.constant 3 : i32
      %dma_wait3A_600 = arith.constant 0 : i32
      %dma_wait3A_601 = arith.constant 0 : i32
      %dma_wait3A_602 = tpu.memref_slice %arg6[%dma_wait3A_599, %dma_wait3A_600, %dma_wait3A_601] : memref<6x128x128xf32, #tpu.memory_space<vmem>> -> memref<1x128x128xf32, #tpu.memory_space<vmem>>
      %dma_wait3A_603 = tpu.memref_squeeze %dma_wait3A_602 : memref<1x128x128xf32, #tpu.memory_space<vmem>> -> memref<128x128xf32, #tpu.memory_space<vmem>>
      %dma_wait3A_604 = arith.constant 0 : i32
      %dma_wait3A_605 = tpu.memref_slice %arg4[%mul3A_2, %dma_wait3A_604] : memref<204800x128xf32, #tpu.memory_space<hbm>> -> memref<128x128xf32, #tpu.memory_space<hbm>>
      %dma_wait3A_606 = arith.constant 0 : i32
      %dma_wait3A_607 = tpu.memref_slice %arg4[%mul3A_2, %dma_wait3A_606] : memref<204800x128xf32, #tpu.memory_space<hbm>> -> memref<128x128xf32, #tpu.memory_space<hbm>>
      %dma_wait3A_608 = arith.constant 0 : i32
      %dma_wait3A_609 = arith.constant 0 : i32
      %dma_wait3A_610 = tpu.memref_slice %arg6[%dma_wait3A_599, %dma_wait3A_608, %dma_wait3A_609] : memref<6x128x128xf32, #tpu.memory_space<vmem>> -> memref<1x128x128xf32, #tpu.memory_space<vmem>>
      %dma_wait3A_611 = tpu.memref_squeeze %dma_wait3A_610 : memref<1x128x128xf32, #tpu.memory_space<vmem>> -> memref<128x128xf32, #tpu.memory_space<vmem>>
      tpu.wait_dma2 semaphore(%arg16 : memref<!tpu.dma_semaphore, #tpu.memory_space<semaphore_mem>>) src(%dma_wait3A_611 : memref<128x128xf32, #tpu.memory_space<vmem>>) dst(%dma_wait3A_607 : memref<128x128xf32, #tpu.memory_space<hbm>>)
      %dma_start3A_612 = arith.constant 3 : i32
      %dma_start3A_613 = arith.constant 0 : i32
      %dma_start3A_614 = arith.constant 0 : i32
      %dma_start3A_615 = tpu.memref_slice %arg6[%dma_start3A_612, %dma_start3A_613, %dma_start3A_614] : memref<6x128x128xf32, #tpu.memory_space<vmem>> -> memref<1x128x128xf32, #tpu.memory_space<vmem>>
      %dma_start3A_616 = tpu.memref_squeeze %dma_start3A_615 : memref<1x128x128xf32, #tpu.memory_space<vmem>> -> memref<128x128xf32, #tpu.memory_space<vmem>>
      %dma_start3A_617 = arith.constant 0 : i32
      %dma_start3A_618 = tpu.memref_slice %arg5[%add3A_598, %dma_start3A_617] : memref<50x128xi32, #tpu.memory_space<vmem>> -> memref<1x128xi32, #tpu.memory_space<vmem>>
      %dma_start3A_619 = tpu.memref_squeeze %dma_start3A_618 : memref<1x128xi32, #tpu.memory_space<vmem>> -> memref<128xi32, #tpu.memory_space<vmem>>
      %dma_start3A_620 = arith.constant 0 : i32
      %dma_start3A_621 = arith.constant 0 : i32
      %dma_start3A_622 = tpu.memref_slice %arg3[%dma_start3A_620, %dma_start3A_621] : memref<100000x128xf32, #tpu.memory_space<hbm>> -> memref<100000x128xf32, #tpu.memory_space<hbm>>
      tpu.enqueue_indirect_dma source(%dma_start3A_622 : memref<100000x128xf32, #tpu.memory_space<hbm>>) target(%dma_start3A_616 : memref<128x128xf32, #tpu.memory_space<vmem>>) offsets(%dma_start3A_619 : memref<128xi32, #tpu.memory_space<vmem>>) semaphore(%arg10 : memref<!tpu.dma_semaphore, #tpu.memory_space<semaphore_mem>>)
      %dma_wait3A_623 = arith.constant 0 : i32
      %dma_wait3A_624 = arith.constant 5 : i32
      %dma_wait3A_625 = arith.constant 0 : i32
      %dma_wait3A_626 = arith.constant 0 : i32
      %dma_wait3A_627 = tpu.memref_slice %arg6[%dma_wait3A_624, %dma_wait3A_625, %dma_wait3A_626] : memref<6x128x128xf32, #tpu.memory_space<vmem>> -> memref<1x128x128xf32, #tpu.memory_space<vmem>>
      %dma_wait3A_628 = tpu.memref_squeeze %dma_wait3A_627 : memref<1x128x128xf32, #tpu.memory_space<vmem>> -> memref<128x128xf32, #tpu.memory_space<vmem>>
      %dma_wait3A_629 = arith.constant 0 : i32
      %dma_wait3A_630 = tpu.memref_slice %arg5[%dma_wait3A_623, %dma_wait3A_629] : memref<50x128xi32, #tpu.memory_space<vmem>> -> memref<1x128xi32, #tpu.memory_space<vmem>>
      %dma_wait3A_631 = tpu.memref_squeeze %dma_wait3A_630 : memref<1x128xi32, #tpu.memory_space<vmem>> -> memref<128xi32, #tpu.memory_space<vmem>>
      %dma_wait3A_632 = arith.constant 0 : i32
      %dma_wait3A_633 = arith.constant 0 : i32
      %dma_wait3A_634 = tpu.memref_slice %arg3[%dma_wait3A_632, %dma_wait3A_633] : memref<100000x128xf32, #tpu.memory_space<hbm>> -> memref<100000x128xf32, #tpu.memory_space<hbm>>
      tpu.wait_indirect_dma semaphore(%arg12 : memref<!tpu.dma_semaphore, #tpu.memory_space<semaphore_mem>>) src(%dma_wait3A_634 : memref<100000x128xf32, #tpu.memory_space<hbm>>) dst(%dma_wait3A_628 : memref<128x128xf32, #tpu.memory_space<vmem>>)
      %mul3A_635 = arith.constant 128 : i32
      %mul3A_636 = arith.muli %add3A_596, %mul3A_635 : i32
      %add3A_637 = arith.addi %mul3A_2, %mul3A_636 : i32
      %dma_start3A_638 = arith.constant 5 : i32
      %dma_start3A_639 = arith.constant 0 : i32
      %dma_start3A_640 = arith.constant 0 : i32
      %dma_start3A_641 = tpu.memref_slice %arg6[%dma_start3A_638, %dma_start3A_639, %dma_start3A_640] : memref<6x128x128xf32, #tpu.memory_space<vmem>> -> memref<1x128x128xf32, #tpu.memory_space<vmem>>
      %dma_start3A_642 = tpu.memref_squeeze %dma_start3A_641 : memref<1x128x128xf32, #tpu.memory_space<vmem>> -> memref<128x128xf32, #tpu.memory_space<vmem>>
      %dma_start3A_643 = arith.constant 0 : i32
      %dma_start3A_644 = tpu.memref_slice %arg4[%add3A_637, %dma_start3A_643] : memref<204800x128xf32, #tpu.memory_space<hbm>> -> memref<128x128xf32, #tpu.memory_space<hbm>>
      %dma_start3A_645 = arith.constant 0 : i32
      %dma_start3A_646 = tpu.memref_slice %arg4[%add3A_637, %dma_start3A_645] : memref<204800x128xf32, #tpu.memory_space<hbm>> -> memref<128x128xf32, #tpu.memory_space<hbm>>
      %dma_start3A_647 = arith.constant 0 : i32
      %dma_start3A_648 = arith.constant 0 : i32
      %dma_start3A_649 = tpu.memref_slice %arg6[%dma_start3A_638, %dma_start3A_647, %dma_start3A_648] : memref<6x128x128xf32, #tpu.memory_space<vmem>> -> memref<1x128x128xf32, #tpu.memory_space<vmem>>
      %dma_start3A_650 = tpu.memref_squeeze %dma_start3A_649 : memref<1x128x128xf32, #tpu.memory_space<vmem>> -> memref<128x128xf32, #tpu.memory_space<vmem>>
      tpu.enqueue_dma source(%dma_start3A_650 : memref<128x128xf32, #tpu.memory_space<vmem>>) target(%dma_start3A_646 : memref<128x128xf32, #tpu.memory_space<hbm>>) target_semaphore(%arg18 : memref<!tpu.dma_semaphore, #tpu.memory_space<semaphore_mem>>)
      %add3A_651 = arith.constant 4 : i32
      %add3A_652 = arith.addi %add3A_426, %add3A_651 : i32
      %add3A_653 = arith.constant 4 : i32
      %add3A_654 = arith.addi %add3A_652, %add3A_653 : i32
      %dma_wait3A_655 = arith.constant 4 : i32
      %dma_wait3A_656 = arith.constant 0 : i32
      %dma_wait3A_657 = arith.constant 0 : i32
      %dma_wait3A_658 = tpu.memref_slice %arg6[%dma_wait3A_655, %dma_wait3A_656, %dma_wait3A_657] : memref<6x128x128xf32, #tpu.memory_space<vmem>> -> memref<1x128x128xf32, #tpu.memory_space<vmem>>
      %dma_wait3A_659 = tpu.memref_squeeze %dma_wait3A_658 : memref<1x128x128xf32, #tpu.memory_space<vmem>> -> memref<128x128xf32, #tpu.memory_space<vmem>>
      %dma_wait3A_660 = arith.constant 0 : i32
      %dma_wait3A_661 = tpu.memref_slice %arg4[%mul3A_2, %dma_wait3A_660] : memref<204800x128xf32, #tpu.memory_space<hbm>> -> memref<128x128xf32, #tpu.memory_space<hbm>>
      %dma_wait3A_662 = arith.constant 0 : i32
      %dma_wait3A_663 = tpu.memref_slice %arg4[%mul3A_2, %dma_wait3A_662] : memref<204800x128xf32, #tpu.memory_space<hbm>> -> memref<128x128xf32, #tpu.memory_space<hbm>>
      %dma_wait3A_664 = arith.constant 0 : i32
      %dma_wait3A_665 = arith.constant 0 : i32
      %dma_wait3A_666 = tpu.memref_slice %arg6[%dma_wait3A_655, %dma_wait3A_664, %dma_wait3A_665] : memref<6x128x128xf32, #tpu.memory_space<vmem>> -> memref<1x128x128xf32, #tpu.memory_space<vmem>>
      %dma_wait3A_667 = tpu.memref_squeeze %dma_wait3A_666 : memref<1x128x128xf32, #tpu.memory_space<vmem>> -> memref<128x128xf32, #tpu.memory_space<vmem>>
      tpu.wait_dma2 semaphore(%arg17 : memref<!tpu.dma_semaphore, #tpu.memory_space<semaphore_mem>>) src(%dma_wait3A_667 : memref<128x128xf32, #tpu.memory_space<vmem>>) dst(%dma_wait3A_663 : memref<128x128xf32, #tpu.memory_space<hbm>>)
      %dma_start3A_668 = arith.constant 4 : i32
      %dma_start3A_669 = arith.constant 0 : i32
      %dma_start3A_670 = arith.constant 0 : i32
      %dma_start3A_671 = tpu.memref_slice %arg6[%dma_start3A_668, %dma_start3A_669, %dma_start3A_670] : memref<6x128x128xf32, #tpu.memory_space<vmem>> -> memref<1x128x128xf32, #tpu.memory_space<vmem>>
      %dma_start3A_672 = tpu.memref_squeeze %dma_start3A_671 : memref<1x128x128xf32, #tpu.memory_space<vmem>> -> memref<128x128xf32, #tpu.memory_space<vmem>>
      %dma_start3A_673 = arith.constant 0 : i32
      %dma_start3A_674 = tpu.memref_slice %arg5[%add3A_654, %dma_start3A_673] : memref<50x128xi32, #tpu.memory_space<vmem>> -> memref<1x128xi32, #tpu.memory_space<vmem>>
      %dma_start3A_675 = tpu.memref_squeeze %dma_start3A_674 : memref<1x128xi32, #tpu.memory_space<vmem>> -> memref<128xi32, #tpu.memory_space<vmem>>
      %dma_start3A_676 = arith.constant 0 : i32
      %dma_start3A_677 = arith.constant 0 : i32
      %dma_start3A_678 = tpu.memref_slice %arg3[%dma_start3A_676, %dma_start3A_677] : memref<100000x128xf32, #tpu.memory_space<hbm>> -> memref<100000x128xf32, #tpu.memory_space<hbm>>
      tpu.enqueue_indirect_dma source(%dma_start3A_678 : memref<100000x128xf32, #tpu.memory_space<hbm>>) target(%dma_start3A_672 : memref<128x128xf32, #tpu.memory_space<vmem>>) offsets(%dma_start3A_675 : memref<128xi32, #tpu.memory_space<vmem>>) semaphore(%arg11 : memref<!tpu.dma_semaphore, #tpu.memory_space<semaphore_mem>>)
      %dma_wait3A_679 = arith.constant 0 : i32
      %dma_wait3A_680 = arith.constant 0 : i32
      %dma_wait3A_681 = arith.constant 0 : i32
      %dma_wait3A_682 = arith.constant 0 : i32
      %dma_wait3A_683 = tpu.memref_slice %arg6[%dma_wait3A_680, %dma_wait3A_681, %dma_wait3A_682] : memref<6x128x128xf32, #tpu.memory_space<vmem>> -> memref<1x128x128xf32, #tpu.memory_space<vmem>>
      %dma_wait3A_684 = tpu.memref_squeeze %dma_wait3A_683 : memref<1x128x128xf32, #tpu.memory_space<vmem>> -> memref<128x128xf32, #tpu.memory_space<vmem>>
      %dma_wait3A_685 = arith.constant 0 : i32
      %dma_wait3A_686 = tpu.memref_slice %arg5[%dma_wait3A_679, %dma_wait3A_685] : memref<50x128xi32, #tpu.memory_space<vmem>> -> memref<1x128xi32, #tpu.memory_space<vmem>>
      %dma_wait3A_687 = tpu.memref_squeeze %dma_wait3A_686 : memref<1x128xi32, #tpu.memory_space<vmem>> -> memref<128xi32, #tpu.memory_space<vmem>>
      %dma_wait3A_688 = arith.constant 0 : i32
      %dma_wait3A_689 = arith.constant 0 : i32
      %dma_wait3A_690 = tpu.memref_slice %arg3[%dma_wait3A_688, %dma_wait3A_689] : memref<100000x128xf32, #tpu.memory_space<hbm>> -> memref<100000x128xf32, #tpu.memory_space<hbm>>
      tpu.wait_indirect_dma semaphore(%arg7 : memref<!tpu.dma_semaphore, #tpu.memory_space<semaphore_mem>>) src(%dma_wait3A_690 : memref<100000x128xf32, #tpu.memory_space<hbm>>) dst(%dma_wait3A_684 : memref<128x128xf32, #tpu.memory_space<vmem>>)
      %mul3A_691 = arith.constant 128 : i32
      %mul3A_692 = arith.muli %add3A_652, %mul3A_691 : i32
      %add3A_693 = arith.addi %mul3A_2, %mul3A_692 : i32
      %dma_start3A_694 = arith.constant 0 : i32
      %dma_start3A_695 = arith.constant 0 : i32
      %dma_start3A_696 = arith.constant 0 : i32
      %dma_start3A_697 = tpu.memref_slice %arg6[%dma_start3A_694, %dma_start3A_695, %dma_start3A_696] : memref<6x128x128xf32, #tpu.memory_space<vmem>> -> memref<1x128x128xf32, #tpu.memory_space<vmem>>
      %dma_start3A_698 = tpu.memref_squeeze %dma_start3A_697 : memref<1x128x128xf32, #tpu.memory_space<vmem>> -> memref<128x128xf32, #tpu.memory_space<vmem>>
      %dma_start3A_699 = arith.constant 0 : i32
      %dma_start3A_700 = tpu.memref_slice %arg4[%add3A_693, %dma_start3A_699] : memref<204800x128xf32, #tpu.memory_space<hbm>> -> memref<128x128xf32, #tpu.memory_space<hbm>>
      %dma_start3A_701 = arith.constant 0 : i32
      %dma_start3A_702 = tpu.memref_slice %arg4[%add3A_693, %dma_start3A_701] : memref<204800x128xf32, #tpu.memory_space<hbm>> -> memref<128x128xf32, #tpu.memory_space<hbm>>
      %dma_start3A_703 = arith.constant 0 : i32
      %dma_start3A_704 = arith.constant 0 : i32
      %dma_start3A_705 = tpu.memref_slice %arg6[%dma_start3A_694, %dma_start3A_703, %dma_start3A_704] : memref<6x128x128xf32, #tpu.memory_space<vmem>> -> memref<1x128x128xf32, #tpu.memory_space<vmem>>
      %dma_start3A_706 = tpu.memref_squeeze %dma_start3A_705 : memref<1x128x128xf32, #tpu.memory_space<vmem>> -> memref<128x128xf32, #tpu.memory_space<vmem>>
      tpu.enqueue_dma source(%dma_start3A_706 : memref<128x128xf32, #tpu.memory_space<vmem>>) target(%dma_start3A_702 : memref<128x128xf32, #tpu.memory_space<hbm>>) target_semaphore(%arg13 : memref<!tpu.dma_semaphore, #tpu.memory_space<semaphore_mem>>)
      %add3A_707 = arith.constant 5 : i32
      %add3A_708 = arith.addi %add3A_426, %add3A_707 : i32
      %add3A_709 = arith.constant 4 : i32
      %add3A_710 = arith.addi %add3A_708, %add3A_709 : i32
      %dma_wait3A_711 = arith.constant 5 : i32
      %dma_wait3A_712 = arith.constant 0 : i32
      %dma_wait3A_713 = arith.constant 0 : i32
      %dma_wait3A_714 = tpu.memref_slice %arg6[%dma_wait3A_711, %dma_wait3A_712, %dma_wait3A_713] : memref<6x128x128xf32, #tpu.memory_space<vmem>> -> memref<1x128x128xf32, #tpu.memory_space<vmem>>
      %dma_wait3A_715 = tpu.memref_squeeze %dma_wait3A_714 : memref<1x128x128xf32, #tpu.memory_space<vmem>> -> memref<128x128xf32, #tpu.memory_space<vmem>>
      %dma_wait3A_716 = arith.constant 0 : i32
      %dma_wait3A_717 = tpu.memref_slice %arg4[%mul3A_2, %dma_wait3A_716] : memref<204800x128xf32, #tpu.memory_space<hbm>> -> memref<128x128xf32, #tpu.memory_space<hbm>>
      %dma_wait3A_718 = arith.constant 0 : i32
      %dma_wait3A_719 = tpu.memref_slice %arg4[%mul3A_2, %dma_wait3A_718] : memref<204800x128xf32, #tpu.memory_space<hbm>> -> memref<128x128xf32, #tpu.memory_space<hbm>>
      %dma_wait3A_720 = arith.constant 0 : i32
      %dma_wait3A_721 = arith.constant 0 : i32
      %dma_wait3A_722 = tpu.memref_slice %arg6[%dma_wait3A_711, %dma_wait3A_720, %dma_wait3A_721] : memref<6x128x128xf32, #tpu.memory_space<vmem>> -> memref<1x128x128xf32, #tpu.memory_space<vmem>>
      %dma_wait3A_723 = tpu.memref_squeeze %dma_wait3A_722 : memref<1x128x128xf32, #tpu.memory_space<vmem>> -> memref<128x128xf32, #tpu.memory_space<vmem>>
      tpu.wait_dma2 semaphore(%arg18 : memref<!tpu.dma_semaphore, #tpu.memory_space<semaphore_mem>>) src(%dma_wait3A_723 : memref<128x128xf32, #tpu.memory_space<vmem>>) dst(%dma_wait3A_719 : memref<128x128xf32, #tpu.memory_space<hbm>>)
      %dma_start3A_724 = arith.constant 5 : i32
      %dma_start3A_725 = arith.constant 0 : i32
      %dma_start3A_726 = arith.constant 0 : i32
      %dma_start3A_727 = tpu.memref_slice %arg6[%dma_start3A_724, %dma_start3A_725, %dma_start3A_726] : memref<6x128x128xf32, #tpu.memory_space<vmem>> -> memref<1x128x128xf32, #tpu.memory_space<vmem>>
      %dma_start3A_728 = tpu.memref_squeeze %dma_start3A_727 : memref<1x128x128xf32, #tpu.memory_space<vmem>> -> memref<128x128xf32, #tpu.memory_space<vmem>>
      %dma_start3A_729 = arith.constant 0 : i32
      %dma_start3A_730 = tpu.memref_slice %arg5[%add3A_710, %dma_start3A_729] : memref<50x128xi32, #tpu.memory_space<vmem>> -> memref<1x128xi32, #tpu.memory_space<vmem>>
      %dma_start3A_731 = tpu.memref_squeeze %dma_start3A_730 : memref<1x128xi32, #tpu.memory_space<vmem>> -> memref<128xi32, #tpu.memory_space<vmem>>
      %dma_start3A_732 = arith.constant 0 : i32
      %dma_start3A_733 = arith.constant 0 : i32
      %dma_start3A_734 = tpu.memref_slice %arg3[%dma_start3A_732, %dma_start3A_733] : memref<100000x128xf32, #tpu.memory_space<hbm>> -> memref<100000x128xf32, #tpu.memory_space<hbm>>
      tpu.enqueue_indirect_dma source(%dma_start3A_734 : memref<100000x128xf32, #tpu.memory_space<hbm>>) target(%dma_start3A_728 : memref<128x128xf32, #tpu.memory_space<vmem>>) offsets(%dma_start3A_731 : memref<128xi32, #tpu.memory_space<vmem>>) semaphore(%arg12 : memref<!tpu.dma_semaphore, #tpu.memory_space<semaphore_mem>>)
      %dma_wait3A_735 = arith.constant 0 : i32
      %dma_wait3A_736 = arith.constant 1 : i32
      %dma_wait3A_737 = arith.constant 0 : i32
      %dma_wait3A_738 = arith.constant 0 : i32
      %dma_wait3A_739 = tpu.memref_slice %arg6[%dma_wait3A_736, %dma_wait3A_737, %dma_wait3A_738] : memref<6x128x128xf32, #tpu.memory_space<vmem>> -> memref<1x128x128xf32, #tpu.memory_space<vmem>>
      %dma_wait3A_740 = tpu.memref_squeeze %dma_wait3A_739 : memref<1x128x128xf32, #tpu.memory_space<vmem>> -> memref<128x128xf32, #tpu.memory_space<vmem>>
      %dma_wait3A_741 = arith.constant 0 : i32
      %dma_wait3A_742 = tpu.memref_slice %arg5[%dma_wait3A_735, %dma_wait3A_741] : memref<50x128xi32, #tpu.memory_space<vmem>> -> memref<1x128xi32, #tpu.memory_space<vmem>>
      %dma_wait3A_743 = tpu.memref_squeeze %dma_wait3A_742 : memref<1x128xi32, #tpu.memory_space<vmem>> -> memref<128xi32, #tpu.memory_space<vmem>>
      %dma_wait3A_744 = arith.constant 0 : i32
      %dma_wait3A_745 = arith.constant 0 : i32
      %dma_wait3A_746 = tpu.memref_slice %arg3[%dma_wait3A_744, %dma_wait3A_745] : memref<100000x128xf32, #tpu.memory_space<hbm>> -> memref<100000x128xf32, #tpu.memory_space<hbm>>
      tpu.wait_indirect_dma semaphore(%arg8 : memref<!tpu.dma_semaphore, #tpu.memory_space<semaphore_mem>>) src(%dma_wait3A_746 : memref<100000x128xf32, #tpu.memory_space<hbm>>) dst(%dma_wait3A_740 : memref<128x128xf32, #tpu.memory_space<vmem>>)
      %mul3A_747 = arith.constant 128 : i32
      %mul3A_748 = arith.muli %add3A_708, %mul3A_747 : i32
      %add3A_749 = arith.addi %mul3A_2, %mul3A_748 : i32
      %dma_start3A_750 = arith.constant 1 : i32
      %dma_start3A_751 = arith.constant 0 : i32
      %dma_start3A_752 = arith.constant 0 : i32
      %dma_start3A_753 = tpu.memref_slice %arg6[%dma_start3A_750, %dma_start3A_751, %dma_start3A_752] : memref<6x128x128xf32, #tpu.memory_space<vmem>> -> memref<1x128x128xf32, #tpu.memory_space<vmem>>
      %dma_start3A_754 = tpu.memref_squeeze %dma_start3A_753 : memref<1x128x128xf32, #tpu.memory_space<vmem>> -> memref<128x128xf32, #tpu.memory_space<vmem>>
      %dma_start3A_755 = arith.constant 0 : i32
      %dma_start3A_756 = tpu.memref_slice %arg4[%add3A_749, %dma_start3A_755] : memref<204800x128xf32, #tpu.memory_space<hbm>> -> memref<128x128xf32, #tpu.memory_space<hbm>>
      %dma_start3A_757 = arith.constant 0 : i32
      %dma_start3A_758 = tpu.memref_slice %arg4[%add3A_749, %dma_start3A_757] : memref<204800x128xf32, #tpu.memory_space<hbm>> -> memref<128x128xf32, #tpu.memory_space<hbm>>
      %dma_start3A_759 = arith.constant 0 : i32
      %dma_start3A_760 = arith.constant 0 : i32
      %dma_start3A_761 = tpu.memref_slice %arg6[%dma_start3A_750, %dma_start3A_759, %dma_start3A_760] : memref<6x128x128xf32, #tpu.memory_space<vmem>> -> memref<1x128x128xf32, #tpu.memory_space<vmem>>
      %dma_start3A_762 = tpu.memref_squeeze %dma_start3A_761 : memref<1x128x128xf32, #tpu.memory_space<vmem>> -> memref<128x128xf32, #tpu.memory_space<vmem>>
      tpu.enqueue_dma source(%dma_start3A_762 : memref<128x128xf32, #tpu.memory_space<vmem>>) target(%dma_start3A_758 : memref<128x128xf32, #tpu.memory_space<hbm>>) target_semaphore(%arg14 : memref<!tpu.dma_semaphore, #tpu.memory_space<semaphore_mem>>)
    }
    %scan3A_131 = arith.constant 7 : i32
    %dma_wait3A_132 = arith.constant 0 : i32
    %dma_wait3A_133 = arith.constant 0 : i32
    %dma_wait3A_134 = arith.constant 0 : i32
    %dma_wait3A_135 = tpu.memref_slice %arg6[%dma_wait3A_132, %dma_wait3A_133, %dma_wait3A_134] : memref<6x128x128xf32, #tpu.memory_space<vmem>> -> memref<1x128x128xf32, #tpu.memory_space<vmem>>
    %dma_wait3A_136 = tpu.memref_squeeze %dma_wait3A_135 : memref<1x128x128xf32, #tpu.memory_space<vmem>> -> memref<128x128xf32, #tpu.memory_space<vmem>>
    %dma_wait3A_137 = arith.constant 0 : i32
    %dma_wait3A_138 = tpu.memref_slice %arg4[%mul3A_2, %dma_wait3A_137] : memref<204800x128xf32, #tpu.memory_space<hbm>> -> memref<128x128xf32, #tpu.memory_space<hbm>>
    %dma_wait3A_139 = arith.constant 0 : i32
    %dma_wait3A_140 = tpu.memref_slice %arg4[%mul3A_2, %dma_wait3A_139] : memref<204800x128xf32, #tpu.memory_space<hbm>> -> memref<128x128xf32, #tpu.memory_space<hbm>>
    %dma_wait3A_141 = arith.constant 0 : i32
    %dma_wait3A_142 = arith.constant 0 : i32
    %dma_wait3A_143 = tpu.memref_slice %arg6[%dma_wait3A_132, %dma_wait3A_141, %dma_wait3A_142] : memref<6x128x128xf32, #tpu.memory_space<vmem>> -> memref<1x128x128xf32, #tpu.memory_space<vmem>>
    %dma_wait3A_144 = tpu.memref_squeeze %dma_wait3A_143 : memref<1x128x128xf32, #tpu.memory_space<vmem>> -> memref<128x128xf32, #tpu.memory_space<vmem>>
    tpu.wait_dma2 semaphore(%arg13 : memref<!tpu.dma_semaphore, #tpu.memory_space<semaphore_mem>>) src(%dma_wait3A_144 : memref<128x128xf32, #tpu.memory_space<vmem>>) dst(%dma_wait3A_140 : memref<128x128xf32, #tpu.memory_space<hbm>>)
    %dma_start3A_145 = arith.constant 48 : i32
    %dma_start3A_146 = arith.constant 0 : i32
    %dma_start3A_147 = arith.constant 0 : i32
    %dma_start3A_148 = arith.constant 0 : i32
    %dma_start3A_149 = tpu.memref_slice %arg6[%dma_start3A_146, %dma_start3A_147, %dma_start3A_148] : memref<6x128x128xf32, #tpu.memory_space<vmem>> -> memref<1x128x128xf32, #tpu.memory_space<vmem>>
    %dma_start3A_150 = tpu.memref_squeeze %dma_start3A_149 : memref<1x128x128xf32, #tpu.memory_space<vmem>> -> memref<128x128xf32, #tpu.memory_space<vmem>>
    %dma_start3A_151 = arith.constant 0 : i32
    %dma_start3A_152 = tpu.memref_slice %arg5[%dma_start3A_145, %dma_start3A_151] : memref<50x128xi32, #tpu.memory_space<vmem>> -> memref<1x128xi32, #tpu.memory_space<vmem>>
    %dma_start3A_153 = tpu.memref_squeeze %dma_start3A_152 : memref<1x128xi32, #tpu.memory_space<vmem>> -> memref<128xi32, #tpu.memory_space<vmem>>
    %dma_start3A_154 = arith.constant 0 : i32
    %dma_start3A_155 = arith.constant 0 : i32
    %dma_start3A_156 = tpu.memref_slice %arg3[%dma_start3A_154, %dma_start3A_155] : memref<100000x128xf32, #tpu.memory_space<hbm>> -> memref<100000x128xf32, #tpu.memory_space<hbm>>
    tpu.enqueue_indirect_dma source(%dma_start3A_156 : memref<100000x128xf32, #tpu.memory_space<hbm>>) target(%dma_start3A_150 : memref<128x128xf32, #tpu.memory_space<vmem>>) offsets(%dma_start3A_153 : memref<128xi32, #tpu.memory_space<vmem>>) semaphore(%arg7 : memref<!tpu.dma_semaphore, #tpu.memory_space<semaphore_mem>>)
    %dma_wait3A_157 = arith.constant 0 : i32
    %dma_wait3A_158 = arith.constant 2 : i32
    %dma_wait3A_159 = arith.constant 0 : i32
    %dma_wait3A_160 = arith.constant 0 : i32
    %dma_wait3A_161 = tpu.memref_slice %arg6[%dma_wait3A_158, %dma_wait3A_159, %dma_wait3A_160] : memref<6x128x128xf32, #tpu.memory_space<vmem>> -> memref<1x128x128xf32, #tpu.memory_space<vmem>>
    %dma_wait3A_162 = tpu.memref_squeeze %dma_wait3A_161 : memref<1x128x128xf32, #tpu.memory_space<vmem>> -> memref<128x128xf32, #tpu.memory_space<vmem>>
    %dma_wait3A_163 = arith.constant 0 : i32
    %dma_wait3A_164 = tpu.memref_slice %arg5[%dma_wait3A_157, %dma_wait3A_163] : memref<50x128xi32, #tpu.memory_space<vmem>> -> memref<1x128xi32, #tpu.memory_space<vmem>>
    %dma_wait3A_165 = tpu.memref_squeeze %dma_wait3A_164 : memref<1x128xi32, #tpu.memory_space<vmem>> -> memref<128xi32, #tpu.memory_space<vmem>>
    %dma_wait3A_166 = arith.constant 0 : i32
    %dma_wait3A_167 = arith.constant 0 : i32
    %dma_wait3A_168 = tpu.memref_slice %arg3[%dma_wait3A_166, %dma_wait3A_167] : memref<100000x128xf32, #tpu.memory_space<hbm>> -> memref<100000x128xf32, #tpu.memory_space<hbm>>
    tpu.wait_indirect_dma semaphore(%arg9 : memref<!tpu.dma_semaphore, #tpu.memory_space<semaphore_mem>>) src(%dma_wait3A_168 : memref<100000x128xf32, #tpu.memory_space<hbm>>) dst(%dma_wait3A_162 : memref<128x128xf32, #tpu.memory_space<vmem>>)
    %add3A_169 = arith.constant 5632 : i32
    %add3A_170 = arith.addi %mul3A_2, %add3A_169 : i32
    %dma_start3A_171 = arith.constant 2 : i32
    %dma_start3A_172 = arith.constant 0 : i32
    %dma_start3A_173 = arith.constant 0 : i32
    %dma_start3A_174 = tpu.memref_slice %arg6[%dma_start3A_171, %dma_start3A_172, %dma_start3A_173] : memref<6x128x128xf32, #tpu.memory_space<vmem>> -> memref<1x128x128xf32, #tpu.memory_space<vmem>>
    %dma_start3A_175 = tpu.memref_squeeze %dma_start3A_174 : memref<1x128x128xf32, #tpu.memory_space<vmem>> -> memref<128x128xf32, #tpu.memory_space<vmem>>
    %dma_start3A_176 = arith.constant 0 : i32
    %dma_start3A_177 = tpu.memref_slice %arg4[%add3A_170, %dma_start3A_176] : memref<204800x128xf32, #tpu.memory_space<hbm>> -> memref<128x128xf32, #tpu.memory_space<hbm>>
    %dma_start3A_178 = arith.constant 0 : i32
    %dma_start3A_179 = tpu.memref_slice %arg4[%add3A_170, %dma_start3A_178] : memref<204800x128xf32, #tpu.memory_space<hbm>> -> memref<128x128xf32, #tpu.memory_space<hbm>>
    %dma_start3A_180 = arith.constant 0 : i32
    %dma_start3A_181 = arith.constant 0 : i32
    %dma_start3A_182 = tpu.memref_slice %arg6[%dma_start3A_171, %dma_start3A_180, %dma_start3A_181] : memref<6x128x128xf32, #tpu.memory_space<vmem>> -> memref<1x128x128xf32, #tpu.memory_space<vmem>>
    %dma_start3A_183 = tpu.memref_squeeze %dma_start3A_182 : memref<1x128x128xf32, #tpu.memory_space<vmem>> -> memref<128x128xf32, #tpu.memory_space<vmem>>
    tpu.enqueue_dma source(%dma_start3A_183 : memref<128x128xf32, #tpu.memory_space<vmem>>) target(%dma_start3A_179 : memref<128x128xf32, #tpu.memory_space<hbm>>) target_semaphore(%arg15 : memref<!tpu.dma_semaphore, #tpu.memory_space<semaphore_mem>>)
    %dma_wait3A_184 = arith.constant 1 : i32
    %dma_wait3A_185 = arith.constant 0 : i32
    %dma_wait3A_186 = arith.constant 0 : i32
    %dma_wait3A_187 = tpu.memref_slice %arg6[%dma_wait3A_184, %dma_wait3A_185, %dma_wait3A_186] : memref<6x128x128xf32, #tpu.memory_space<vmem>> -> memref<1x128x128xf32, #tpu.memory_space<vmem>>
    %dma_wait3A_188 = tpu.memref_squeeze %dma_wait3A_187 : memref<1x128x128xf32, #tpu.memory_space<vmem>> -> memref<128x128xf32, #tpu.memory_space<vmem>>
    %dma_wait3A_189 = arith.constant 0 : i32
    %dma_wait3A_190 = tpu.memref_slice %arg4[%mul3A_2, %dma_wait3A_189] : memref<204800x128xf32, #tpu.memory_space<hbm>> -> memref<128x128xf32, #tpu.memory_space<hbm>>
    %dma_wait3A_191 = arith.constant 0 : i32
    %dma_wait3A_192 = tpu.memref_slice %arg4[%mul3A_2, %dma_wait3A_191] : memref<204800x128xf32, #tpu.memory_space<hbm>> -> memref<128x128xf32, #tpu.memory_space<hbm>>
    %dma_wait3A_193 = arith.constant 0 : i32
    %dma_wait3A_194 = arith.constant 0 : i32
    %dma_wait3A_195 = tpu.memref_slice %arg6[%dma_wait3A_184, %dma_wait3A_193, %dma_wait3A_194] : memref<6x128x128xf32, #tpu.memory_space<vmem>> -> memref<1x128x128xf32, #tpu.memory_space<vmem>>
    %dma_wait3A_196 = tpu.memref_squeeze %dma_wait3A_195 : memref<1x128x128xf32, #tpu.memory_space<vmem>> -> memref<128x128xf32, #tpu.memory_space<vmem>>
    tpu.wait_dma2 semaphore(%arg14 : memref<!tpu.dma_semaphore, #tpu.memory_space<semaphore_mem>>) src(%dma_wait3A_196 : memref<128x128xf32, #tpu.memory_space<vmem>>) dst(%dma_wait3A_192 : memref<128x128xf32, #tpu.memory_space<hbm>>)
    %dma_start3A_197 = arith.constant 49 : i32
    %dma_start3A_198 = arith.constant 1 : i32
    %dma_start3A_199 = arith.constant 0 : i32
    %dma_start3A_200 = arith.constant 0 : i32
    %dma_start3A_201 = tpu.memref_slice %arg6[%dma_start3A_198, %dma_start3A_199, %dma_start3A_200] : memref<6x128x128xf32, #tpu.memory_space<vmem>> -> memref<1x128x128xf32, #tpu.memory_space<vmem>>
    %dma_start3A_202 = tpu.memref_squeeze %dma_start3A_201 : memref<1x128x128xf32, #tpu.memory_space<vmem>> -> memref<128x128xf32, #tpu.memory_space<vmem>>
    %dma_start3A_203 = arith.constant 0 : i32
    %dma_start3A_204 = tpu.memref_slice %arg5[%dma_start3A_197, %dma_start3A_203] : memref<50x128xi32, #tpu.memory_space<vmem>> -> memref<1x128xi32, #tpu.memory_space<vmem>>
    %dma_start3A_205 = tpu.memref_squeeze %dma_start3A_204 : memref<1x128xi32, #tpu.memory_space<vmem>> -> memref<128xi32, #tpu.memory_space<vmem>>
    %dma_start3A_206 = arith.constant 0 : i32
    %dma_start3A_207 = arith.constant 0 : i32
    %dma_start3A_208 = tpu.memref_slice %arg3[%dma_start3A_206, %dma_start3A_207] : memref<100000x128xf32, #tpu.memory_space<hbm>> -> memref<100000x128xf32, #tpu.memory_space<hbm>>
    tpu.enqueue_indirect_dma source(%dma_start3A_208 : memref<100000x128xf32, #tpu.memory_space<hbm>>) target(%dma_start3A_202 : memref<128x128xf32, #tpu.memory_space<vmem>>) offsets(%dma_start3A_205 : memref<128xi32, #tpu.memory_space<vmem>>) semaphore(%arg8 : memref<!tpu.dma_semaphore, #tpu.memory_space<semaphore_mem>>)
    %dma_wait3A_209 = arith.constant 0 : i32
    %dma_wait3A_210 = arith.constant 3 : i32
    %dma_wait3A_211 = arith.constant 0 : i32
    %dma_wait3A_212 = arith.constant 0 : i32
    %dma_wait3A_213 = tpu.memref_slice %arg6[%dma_wait3A_210, %dma_wait3A_211, %dma_wait3A_212] : memref<6x128x128xf32, #tpu.memory_space<vmem>> -> memref<1x128x128xf32, #tpu.memory_space<vmem>>
    %dma_wait3A_214 = tpu.memref_squeeze %dma_wait3A_213 : memref<1x128x128xf32, #tpu.memory_space<vmem>> -> memref<128x128xf32, #tpu.memory_space<vmem>>
    %dma_wait3A_215 = arith.constant 0 : i32
    %dma_wait3A_216 = tpu.memref_slice %arg5[%dma_wait3A_209, %dma_wait3A_215] : memref<50x128xi32, #tpu.memory_space<vmem>> -> memref<1x128xi32, #tpu.memory_space<vmem>>
    %dma_wait3A_217 = tpu.memref_squeeze %dma_wait3A_216 : memref<1x128xi32, #tpu.memory_space<vmem>> -> memref<128xi32, #tpu.memory_space<vmem>>
    %dma_wait3A_218 = arith.constant 0 : i32
    %dma_wait3A_219 = arith.constant 0 : i32
    %dma_wait3A_220 = tpu.memref_slice %arg3[%dma_wait3A_218, %dma_wait3A_219] : memref<100000x128xf32, #tpu.memory_space<hbm>> -> memref<100000x128xf32, #tpu.memory_space<hbm>>
    tpu.wait_indirect_dma semaphore(%arg10 : memref<!tpu.dma_semaphore, #tpu.memory_space<semaphore_mem>>) src(%dma_wait3A_220 : memref<100000x128xf32, #tpu.memory_space<hbm>>) dst(%dma_wait3A_214 : memref<128x128xf32, #tpu.memory_space<vmem>>)
    %add3A_221 = arith.constant 5760 : i32
    %add3A_222 = arith.addi %mul3A_2, %add3A_221 : i32
    %dma_start3A_223 = arith.constant 3 : i32
    %dma_start3A_224 = arith.constant 0 : i32
    %dma_start3A_225 = arith.constant 0 : i32
    %dma_start3A_226 = tpu.memref_slice %arg6[%dma_start3A_223, %dma_start3A_224, %dma_start3A_225] : memref<6x128x128xf32, #tpu.memory_space<vmem>> -> memref<1x128x128xf32, #tpu.memory_space<vmem>>
    %dma_start3A_227 = tpu.memref_squeeze %dma_start3A_226 : memref<1x128x128xf32, #tpu.memory_space<vmem>> -> memref<128x128xf32, #tpu.memory_space<vmem>>
    %dma_start3A_228 = arith.constant 0 : i32
    %dma_start3A_229 = tpu.memref_slice %arg4[%add3A_222, %dma_start3A_228] : memref<204800x128xf32, #tpu.memory_space<hbm>> -> memref<128x128xf32, #tpu.memory_space<hbm>>
    %dma_start3A_230 = arith.constant 0 : i32
    %dma_start3A_231 = tpu.memref_slice %arg4[%add3A_222, %dma_start3A_230] : memref<204800x128xf32, #tpu.memory_space<hbm>> -> memref<128x128xf32, #tpu.memory_space<hbm>>
    %dma_start3A_232 = arith.constant 0 : i32
    %dma_start3A_233 = arith.constant 0 : i32
    %dma_start3A_234 = tpu.memref_slice %arg6[%dma_start3A_223, %dma_start3A_232, %dma_start3A_233] : memref<6x128x128xf32, #tpu.memory_space<vmem>> -> memref<1x128x128xf32, #tpu.memory_space<vmem>>
    %dma_start3A_235 = tpu.memref_squeeze %dma_start3A_234 : memref<1x128x128xf32, #tpu.memory_space<vmem>> -> memref<128x128xf32, #tpu.memory_space<vmem>>
    tpu.enqueue_dma source(%dma_start3A_235 : memref<128x128xf32, #tpu.memory_space<vmem>>) target(%dma_start3A_231 : memref<128x128xf32, #tpu.memory_space<hbm>>) target_semaphore(%arg16 : memref<!tpu.dma_semaphore, #tpu.memory_space<semaphore_mem>>)
    %dma_wait3A_236 = arith.constant 2 : i32
    %dma_wait3A_237 = arith.constant 0 : i32
    %dma_wait3A_238 = arith.constant 0 : i32
    %dma_wait3A_239 = tpu.memref_slice %arg6[%dma_wait3A_236, %dma_wait3A_237, %dma_wait3A_238] : memref<6x128x128xf32, #tpu.memory_space<vmem>> -> memref<1x128x128xf32, #tpu.memory_space<vmem>>
    %dma_wait3A_240 = tpu.memref_squeeze %dma_wait3A_239 : memref<1x128x128xf32, #tpu.memory_space<vmem>> -> memref<128x128xf32, #tpu.memory_space<vmem>>
    %dma_wait3A_241 = arith.constant 0 : i32
    %dma_wait3A_242 = tpu.memref_slice %arg4[%mul3A_2, %dma_wait3A_241] : memref<204800x128xf32, #tpu.memory_space<hbm>> -> memref<128x128xf32, #tpu.memory_space<hbm>>
    %dma_wait3A_243 = arith.constant 0 : i32
    %dma_wait3A_244 = tpu.memref_slice %arg4[%mul3A_2, %dma_wait3A_243] : memref<204800x128xf32, #tpu.memory_space<hbm>> -> memref<128x128xf32, #tpu.memory_space<hbm>>
    %dma_wait3A_245 = arith.constant 0 : i32
    %dma_wait3A_246 = arith.constant 0 : i32
    %dma_wait3A_247 = tpu.memref_slice %arg6[%dma_wait3A_236, %dma_wait3A_245, %dma_wait3A_246] : memref<6x128x128xf32, #tpu.memory_space<vmem>> -> memref<1x128x128xf32, #tpu.memory_space<vmem>>
    %dma_wait3A_248 = tpu.memref_squeeze %dma_wait3A_247 : memref<1x128x128xf32, #tpu.memory_space<vmem>> -> memref<128x128xf32, #tpu.memory_space<vmem>>
    tpu.wait_dma2 semaphore(%arg15 : memref<!tpu.dma_semaphore, #tpu.memory_space<semaphore_mem>>) src(%dma_wait3A_248 : memref<128x128xf32, #tpu.memory_space<vmem>>) dst(%dma_wait3A_244 : memref<128x128xf32, #tpu.memory_space<hbm>>)
    %dma_wait3A_249 = arith.constant 0 : i32
    %dma_wait3A_250 = arith.constant 4 : i32
    %dma_wait3A_251 = arith.constant 0 : i32
    %dma_wait3A_252 = arith.constant 0 : i32
    %dma_wait3A_253 = tpu.memref_slice %arg6[%dma_wait3A_250, %dma_wait3A_251, %dma_wait3A_252] : memref<6x128x128xf32, #tpu.memory_space<vmem>> -> memref<1x128x128xf32, #tpu.memory_space<vmem>>
    %dma_wait3A_254 = tpu.memref_squeeze %dma_wait3A_253 : memref<1x128x128xf32, #tpu.memory_space<vmem>> -> memref<128x128xf32, #tpu.memory_space<vmem>>
    %dma_wait3A_255 = arith.constant 0 : i32
    %dma_wait3A_256 = tpu.memref_slice %arg5[%dma_wait3A_249, %dma_wait3A_255] : memref<50x128xi32, #tpu.memory_space<vmem>> -> memref<1x128xi32, #tpu.memory_space<vmem>>
    %dma_wait3A_257 = tpu.memref_squeeze %dma_wait3A_256 : memref<1x128xi32, #tpu.memory_space<vmem>> -> memref<128xi32, #tpu.memory_space<vmem>>
    %dma_wait3A_258 = arith.constant 0 : i32
    %dma_wait3A_259 = arith.constant 0 : i32
    %dma_wait3A_260 = tpu.memref_slice %arg3[%dma_wait3A_258, %dma_wait3A_259] : memref<100000x128xf32, #tpu.memory_space<hbm>> -> memref<100000x128xf32, #tpu.memory_space<hbm>>
    tpu.wait_indirect_dma semaphore(%arg11 : memref<!tpu.dma_semaphore, #tpu.memory_space<semaphore_mem>>) src(%dma_wait3A_260 : memref<100000x128xf32, #tpu.memory_space<hbm>>) dst(%dma_wait3A_254 : memref<128x128xf32, #tpu.memory_space<vmem>>)
    %add3A_261 = arith.constant 5888 : i32
    %add3A_262 = arith.addi %mul3A_2, %add3A_261 : i32
    %dma_start3A_263 = arith.constant 4 : i32
    %dma_start3A_264 = arith.constant 0 : i32
    %dma_start3A_265 = arith.constant 0 : i32
    %dma_start3A_266 = tpu.memref_slice %arg6[%dma_start3A_263, %dma_start3A_264, %dma_start3A_265] : memref<6x128x128xf32, #tpu.memory_space<vmem>> -> memref<1x128x128xf32, #tpu.memory_space<vmem>>
    %dma_start3A_267 = tpu.memref_squeeze %dma_start3A_266 : memref<1x128x128xf32, #tpu.memory_space<vmem>> -> memref<128x128xf32, #tpu.memory_space<vmem>>
    %dma_start3A_268 = arith.constant 0 : i32
    %dma_start3A_269 = tpu.memref_slice %arg4[%add3A_262, %dma_start3A_268] : memref<204800x128xf32, #tpu.memory_space<hbm>> -> memref<128x128xf32, #tpu.memory_space<hbm>>
    %dma_start3A_270 = arith.constant 0 : i32
    %dma_start3A_271 = tpu.memref_slice %arg4[%add3A_262, %dma_start3A_270] : memref<204800x128xf32, #tpu.memory_space<hbm>> -> memref<128x128xf32, #tpu.memory_space<hbm>>
    %dma_start3A_272 = arith.constant 0 : i32
    %dma_start3A_273 = arith.constant 0 : i32
    %dma_start3A_274 = tpu.memref_slice %arg6[%dma_start3A_263, %dma_start3A_272, %dma_start3A_273] : memref<6x128x128xf32, #tpu.memory_space<vmem>> -> memref<1x128x128xf32, #tpu.memory_space<vmem>>
    %dma_start3A_275 = tpu.memref_squeeze %dma_start3A_274 : memref<1x128x128xf32, #tpu.memory_space<vmem>> -> memref<128x128xf32, #tpu.memory_space<vmem>>
    tpu.enqueue_dma source(%dma_start3A_275 : memref<128x128xf32, #tpu.memory_space<vmem>>) target(%dma_start3A_271 : memref<128x128xf32, #tpu.memory_space<hbm>>) target_semaphore(%arg17 : memref<!tpu.dma_semaphore, #tpu.memory_space<semaphore_mem>>)
    %dma_wait3A_276 = arith.constant 3 : i32
    %dma_wait3A_277 = arith.constant 0 : i32
    %dma_wait3A_278 = arith.constant 0 : i32
    %dma_wait3A_279 = tpu.memref_slice %arg6[%dma_wait3A_276, %dma_wait3A_277, %dma_wait3A_278] : memref<6x128x128xf32, #tpu.memory_space<vmem>> -> memref<1x128x128xf32, #tpu.memory_space<vmem>>
    %dma_wait3A_280 = tpu.memref_squeeze %dma_wait3A_279 : memref<1x128x128xf32, #tpu.memory_space<vmem>> -> memref<128x128xf32, #tpu.memory_space<vmem>>
    %dma_wait3A_281 = arith.constant 0 : i32
    %dma_wait3A_282 = tpu.memref_slice %arg4[%mul3A_2, %dma_wait3A_281] : memref<204800x128xf32, #tpu.memory_space<hbm>> -> memref<128x128xf32, #tpu.memory_space<hbm>>
    %dma_wait3A_283 = arith.constant 0 : i32
    %dma_wait3A_284 = tpu.memref_slice %arg4[%mul3A_2, %dma_wait3A_283] : memref<204800x128xf32, #tpu.memory_space<hbm>> -> memref<128x128xf32, #tpu.memory_space<hbm>>
    %dma_wait3A_285 = arith.constant 0 : i32
    %dma_wait3A_286 = arith.constant 0 : i32
    %dma_wait3A_287 = tpu.memref_slice %arg6[%dma_wait3A_276, %dma_wait3A_285, %dma_wait3A_286] : memref<6x128x128xf32, #tpu.memory_space<vmem>> -> memref<1x128x128xf32, #tpu.memory_space<vmem>>
    %dma_wait3A_288 = tpu.memref_squeeze %dma_wait3A_287 : memref<1x128x128xf32, #tpu.memory_space<vmem>> -> memref<128x128xf32, #tpu.memory_space<vmem>>
    tpu.wait_dma2 semaphore(%arg16 : memref<!tpu.dma_semaphore, #tpu.memory_space<semaphore_mem>>) src(%dma_wait3A_288 : memref<128x128xf32, #tpu.memory_space<vmem>>) dst(%dma_wait3A_284 : memref<128x128xf32, #tpu.memory_space<hbm>>)
    %dma_wait3A_289 = arith.constant 0 : i32
    %dma_wait3A_290 = arith.constant 5 : i32
    %dma_wait3A_291 = arith.constant 0 : i32
    %dma_wait3A_292 = arith.constant 0 : i32
    %dma_wait3A_293 = tpu.memref_slice %arg6[%dma_wait3A_290, %dma_wait3A_291, %dma_wait3A_292] : memref<6x128x128xf32, #tpu.memory_space<vmem>> -> memref<1x128x128xf32, #tpu.memory_space<vmem>>
    %dma_wait3A_294 = tpu.memref_squeeze %dma_wait3A_293 : memref<1x128x128xf32, #tpu.memory_space<vmem>> -> memref<128x128xf32, #tpu.memory_space<vmem>>
    %dma_wait3A_295 = arith.constant 0 : i32
    %dma_wait3A_296 = tpu.memref_slice %arg5[%dma_wait3A_289, %dma_wait3A_295] : memref<50x128xi32, #tpu.memory_space<vmem>> -> memref<1x128xi32, #tpu.memory_space<vmem>>
    %dma_wait3A_297 = tpu.memref_squeeze %dma_wait3A_296 : memref<1x128xi32, #tpu.memory_space<vmem>> -> memref<128xi32, #tpu.memory_space<vmem>>
    %dma_wait3A_298 = arith.constant 0 : i32
    %dma_wait3A_299 = arith.constant 0 : i32
    %dma_wait3A_300 = tpu.memref_slice %arg3[%dma_wait3A_298, %dma_wait3A_299] : memref<100000x128xf32, #tpu.memory_space<hbm>> -> memref<100000x128xf32, #tpu.memory_space<hbm>>
    tpu.wait_indirect_dma semaphore(%arg12 : memref<!tpu.dma_semaphore, #tpu.memory_space<semaphore_mem>>) src(%dma_wait3A_300 : memref<100000x128xf32, #tpu.memory_space<hbm>>) dst(%dma_wait3A_294 : memref<128x128xf32, #tpu.memory_space<vmem>>)
    %add3A_301 = arith.constant 6016 : i32
    %add3A_302 = arith.addi %mul3A_2, %add3A_301 : i32
    %dma_start3A_303 = arith.constant 5 : i32
    %dma_start3A_304 = arith.constant 0 : i32
    %dma_start3A_305 = arith.constant 0 : i32
    %dma_start3A_306 = tpu.memref_slice %arg6[%dma_start3A_303, %dma_start3A_304, %dma_start3A_305] : memref<6x128x128xf32, #tpu.memory_space<vmem>> -> memref<1x128x128xf32, #tpu.memory_space<vmem>>
    %dma_start3A_307 = tpu.memref_squeeze %dma_start3A_306 : memref<1x128x128xf32, #tpu.memory_space<vmem>> -> memref<128x128xf32, #tpu.memory_space<vmem>>
    %dma_start3A_308 = arith.constant 0 : i32
    %dma_start3A_309 = tpu.memref_slice %arg4[%add3A_302, %dma_start3A_308] : memref<204800x128xf32, #tpu.memory_space<hbm>> -> memref<128x128xf32, #tpu.memory_space<hbm>>
    %dma_start3A_310 = arith.constant 0 : i32
    %dma_start3A_311 = tpu.memref_slice %arg4[%add3A_302, %dma_start3A_310] : memref<204800x128xf32, #tpu.memory_space<hbm>> -> memref<128x128xf32, #tpu.memory_space<hbm>>
    %dma_start3A_312 = arith.constant 0 : i32
    %dma_start3A_313 = arith.constant 0 : i32
    %dma_start3A_314 = tpu.memref_slice %arg6[%dma_start3A_303, %dma_start3A_312, %dma_start3A_313] : memref<6x128x128xf32, #tpu.memory_space<vmem>> -> memref<1x128x128xf32, #tpu.memory_space<vmem>>
    %dma_start3A_315 = tpu.memref_squeeze %dma_start3A_314 : memref<1x128x128xf32, #tpu.memory_space<vmem>> -> memref<128x128xf32, #tpu.memory_space<vmem>>
    tpu.enqueue_dma source(%dma_start3A_315 : memref<128x128xf32, #tpu.memory_space<vmem>>) target(%dma_start3A_311 : memref<128x128xf32, #tpu.memory_space<hbm>>) target_semaphore(%arg18 : memref<!tpu.dma_semaphore, #tpu.memory_space<semaphore_mem>>)
    %dma_wait3A_316 = arith.constant 4 : i32
    %dma_wait3A_317 = arith.constant 0 : i32
    %dma_wait3A_318 = arith.constant 0 : i32
    %dma_wait3A_319 = tpu.memref_slice %arg6[%dma_wait3A_316, %dma_wait3A_317, %dma_wait3A_318] : memref<6x128x128xf32, #tpu.memory_space<vmem>> -> memref<1x128x128xf32, #tpu.memory_space<vmem>>
    %dma_wait3A_320 = tpu.memref_squeeze %dma_wait3A_319 : memref<1x128x128xf32, #tpu.memory_space<vmem>> -> memref<128x128xf32, #tpu.memory_space<vmem>>
    %dma_wait3A_321 = arith.constant 0 : i32
    %dma_wait3A_322 = tpu.memref_slice %arg4[%mul3A_2, %dma_wait3A_321] : memref<204800x128xf32, #tpu.memory_space<hbm>> -> memref<128x128xf32, #tpu.memory_space<hbm>>
    %dma_wait3A_323 = arith.constant 0 : i32
    %dma_wait3A_324 = tpu.memref_slice %arg4[%mul3A_2, %dma_wait3A_323] : memref<204800x128xf32, #tpu.memory_space<hbm>> -> memref<128x128xf32, #tpu.memory_space<hbm>>
    %dma_wait3A_325 = arith.constant 0 : i32
    %dma_wait3A_326 = arith.constant 0 : i32
    %dma_wait3A_327 = tpu.memref_slice %arg6[%dma_wait3A_316, %dma_wait3A_325, %dma_wait3A_326] : memref<6x128x128xf32, #tpu.memory_space<vmem>> -> memref<1x128x128xf32, #tpu.memory_space<vmem>>
    %dma_wait3A_328 = tpu.memref_squeeze %dma_wait3A_327 : memref<1x128x128xf32, #tpu.memory_space<vmem>> -> memref<128x128xf32, #tpu.memory_space<vmem>>
    tpu.wait_dma2 semaphore(%arg17 : memref<!tpu.dma_semaphore, #tpu.memory_space<semaphore_mem>>) src(%dma_wait3A_328 : memref<128x128xf32, #tpu.memory_space<vmem>>) dst(%dma_wait3A_324 : memref<128x128xf32, #tpu.memory_space<hbm>>)
    %dma_wait3A_329 = arith.constant 0 : i32
    %dma_wait3A_330 = arith.constant 0 : i32
    %dma_wait3A_331 = arith.constant 0 : i32
    %dma_wait3A_332 = arith.constant 0 : i32
    %dma_wait3A_333 = tpu.memref_slice %arg6[%dma_wait3A_330, %dma_wait3A_331, %dma_wait3A_332] : memref<6x128x128xf32, #tpu.memory_space<vmem>> -> memref<1x128x128xf32, #tpu.memory_space<vmem>>
    %dma_wait3A_334 = tpu.memref_squeeze %dma_wait3A_333 : memref<1x128x128xf32, #tpu.memory_space<vmem>> -> memref<128x128xf32, #tpu.memory_space<vmem>>
    %dma_wait3A_335 = arith.constant 0 : i32
    %dma_wait3A_336 = tpu.memref_slice %arg5[%dma_wait3A_329, %dma_wait3A_335] : memref<50x128xi32, #tpu.memory_space<vmem>> -> memref<1x128xi32, #tpu.memory_space<vmem>>
    %dma_wait3A_337 = tpu.memref_squeeze %dma_wait3A_336 : memref<1x128xi32, #tpu.memory_space<vmem>> -> memref<128xi32, #tpu.memory_space<vmem>>
    %dma_wait3A_338 = arith.constant 0 : i32
    %dma_wait3A_339 = arith.constant 0 : i32
    %dma_wait3A_340 = tpu.memref_slice %arg3[%dma_wait3A_338, %dma_wait3A_339] : memref<100000x128xf32, #tpu.memory_space<hbm>> -> memref<100000x128xf32, #tpu.memory_space<hbm>>
    tpu.wait_indirect_dma semaphore(%arg7 : memref<!tpu.dma_semaphore, #tpu.memory_space<semaphore_mem>>) src(%dma_wait3A_340 : memref<100000x128xf32, #tpu.memory_space<hbm>>) dst(%dma_wait3A_334 : memref<128x128xf32, #tpu.memory_space<vmem>>)
    %add3A_341 = arith.constant 6144 : i32
    %add3A_342 = arith.addi %mul3A_2, %add3A_341 : i32
    %dma_start3A_343 = arith.constant 0 : i32
    %dma_start3A_344 = arith.constant 0 : i32
    %dma_start3A_345 = arith.constant 0 : i32
    %dma_start3A_346 = tpu.memref_slice %arg6[%dma_start3A_343, %dma_start3A_344, %dma_start3A_345] : memref<6x128x128xf32, #tpu.memory_space<vmem>> -> memref<1x128x128xf32, #tpu.memory_space<vmem>>
    %dma_start3A_347 = tpu.memref_squeeze %dma_start3A_346 : memref<1x128x128xf32, #tpu.memory_space<vmem>> -> memref<128x128xf32, #tpu.memory_space<vmem>>
    %dma_start3A_348 = arith.constant 0 : i32
    %dma_start3A_349 = tpu.memref_slice %arg4[%add3A_342, %dma_start3A_348] : memref<204800x128xf32, #tpu.memory_space<hbm>> -> memref<128x128xf32, #tpu.memory_space<hbm>>
    %dma_start3A_350 = arith.constant 0 : i32
    %dma_start3A_351 = tpu.memref_slice %arg4[%add3A_342, %dma_start3A_350] : memref<204800x128xf32, #tpu.memory_space<hbm>> -> memref<128x128xf32, #tpu.memory_space<hbm>>
    %dma_start3A_352 = arith.constant 0 : i32
    %dma_start3A_353 = arith.constant 0 : i32
    %dma_start3A_354 = tpu.memref_slice %arg6[%dma_start3A_343, %dma_start3A_352, %dma_start3A_353] : memref<6x128x128xf32, #tpu.memory_space<vmem>> -> memref<1x128x128xf32, #tpu.memory_space<vmem>>
    %dma_start3A_355 = tpu.memref_squeeze %dma_start3A_354 : memref<1x128x128xf32, #tpu.memory_space<vmem>> -> memref<128x128xf32, #tpu.memory_space<vmem>>
    tpu.enqueue_dma source(%dma_start3A_355 : memref<128x128xf32, #tpu.memory_space<vmem>>) target(%dma_start3A_351 : memref<128x128xf32, #tpu.memory_space<hbm>>) target_semaphore(%arg13 : memref<!tpu.dma_semaphore, #tpu.memory_space<semaphore_mem>>)
    %dma_wait3A_356 = arith.constant 5 : i32
    %dma_wait3A_357 = arith.constant 0 : i32
    %dma_wait3A_358 = arith.constant 0 : i32
    %dma_wait3A_359 = tpu.memref_slice %arg6[%dma_wait3A_356, %dma_wait3A_357, %dma_wait3A_358] : memref<6x128x128xf32, #tpu.memory_space<vmem>> -> memref<1x128x128xf32, #tpu.memory_space<vmem>>
    %dma_wait3A_360 = tpu.memref_squeeze %dma_wait3A_359 : memref<1x128x128xf32, #tpu.memory_space<vmem>> -> memref<128x128xf32, #tpu.memory_space<vmem>>
    %dma_wait3A_361 = arith.constant 0 : i32
    %dma_wait3A_362 = tpu.memref_slice %arg4[%mul3A_2, %dma_wait3A_361] : memref<204800x128xf32, #tpu.memory_space<hbm>> -> memref<128x128xf32, #tpu.memory_space<hbm>>
    %dma_wait3A_363 = arith.constant 0 : i32
    %dma_wait3A_364 = tpu.memref_slice %arg4[%mul3A_2, %dma_wait3A_363] : memref<204800x128xf32, #tpu.memory_space<hbm>> -> memref<128x128xf32, #tpu.memory_space<hbm>>
    %dma_wait3A_365 = arith.constant 0 : i32
    %dma_wait3A_366 = arith.constant 0 : i32
    %dma_wait3A_367 = tpu.memref_slice %arg6[%dma_wait3A_356, %dma_wait3A_365, %dma_wait3A_366] : memref<6x128x128xf32, #tpu.memory_space<vmem>> -> memref<1x128x128xf32, #tpu.memory_space<vmem>>
    %dma_wait3A_368 = tpu.memref_squeeze %dma_wait3A_367 : memref<1x128x128xf32, #tpu.memory_space<vmem>> -> memref<128x128xf32, #tpu.memory_space<vmem>>
    tpu.wait_dma2 semaphore(%arg18 : memref<!tpu.dma_semaphore, #tpu.memory_space<semaphore_mem>>) src(%dma_wait3A_368 : memref<128x128xf32, #tpu.memory_space<vmem>>) dst(%dma_wait3A_364 : memref<128x128xf32, #tpu.memory_space<hbm>>)
    %dma_wait3A_369 = arith.constant 0 : i32
    %dma_wait3A_370 = arith.constant 1 : i32
    %dma_wait3A_371 = arith.constant 0 : i32
    %dma_wait3A_372 = arith.constant 0 : i32
    %dma_wait3A_373 = tpu.memref_slice %arg6[%dma_wait3A_370, %dma_wait3A_371, %dma_wait3A_372] : memref<6x128x128xf32, #tpu.memory_space<vmem>> -> memref<1x128x128xf32, #tpu.memory_space<vmem>>
    %dma_wait3A_374 = tpu.memref_squeeze %dma_wait3A_373 : memref<1x128x128xf32, #tpu.memory_space<vmem>> -> memref<128x128xf32, #tpu.memory_space<vmem>>
    %dma_wait3A_375 = arith.constant 0 : i32
    %dma_wait3A_376 = tpu.memref_slice %arg5[%dma_wait3A_369, %dma_wait3A_375] : memref<50x128xi32, #tpu.memory_space<vmem>> -> memref<1x128xi32, #tpu.memory_space<vmem>>
    %dma_wait3A_377 = tpu.memref_squeeze %dma_wait3A_376 : memref<1x128xi32, #tpu.memory_space<vmem>> -> memref<128xi32, #tpu.memory_space<vmem>>
    %dma_wait3A_378 = arith.constant 0 : i32
    %dma_wait3A_379 = arith.constant 0 : i32
    %dma_wait3A_380 = tpu.memref_slice %arg3[%dma_wait3A_378, %dma_wait3A_379] : memref<100000x128xf32, #tpu.memory_space<hbm>> -> memref<100000x128xf32, #tpu.memory_space<hbm>>
    tpu.wait_indirect_dma semaphore(%arg8 : memref<!tpu.dma_semaphore, #tpu.memory_space<semaphore_mem>>) src(%dma_wait3A_380 : memref<100000x128xf32, #tpu.memory_space<hbm>>) dst(%dma_wait3A_374 : memref<128x128xf32, #tpu.memory_space<vmem>>)
    %add3A_381 = arith.constant 6272 : i32
    %add3A_382 = arith.addi %mul3A_2, %add3A_381 : i32
    %dma_start3A_383 = arith.constant 1 : i32
    %dma_start3A_384 = arith.constant 0 : i32
    %dma_start3A_385 = arith.constant 0 : i32
    %dma_start3A_386 = tpu.memref_slice %arg6[%dma_start3A_383, %dma_start3A_384, %dma_start3A_385] : memref<6x128x128xf32, #tpu.memory_space<vmem>> -> memref<1x128x128xf32, #tpu.memory_space<vmem>>
    %dma_start3A_387 = tpu.memref_squeeze %dma_start3A_386 : memref<1x128x128xf32, #tpu.memory_space<vmem>> -> memref<128x128xf32, #tpu.memory_space<vmem>>
    %dma_start3A_388 = arith.constant 0 : i32
    %dma_start3A_389 = tpu.memref_slice %arg4[%add3A_382, %dma_start3A_388] : memref<204800x128xf32, #tpu.memory_space<hbm>> -> memref<128x128xf32, #tpu.memory_space<hbm>>
    %dma_start3A_390 = arith.constant 0 : i32
    %dma_start3A_391 = tpu.memref_slice %arg4[%add3A_382, %dma_start3A_390] : memref<204800x128xf32, #tpu.memory_space<hbm>> -> memref<128x128xf32, #tpu.memory_space<hbm>>
    %dma_start3A_392 = arith.constant 0 : i32
    %dma_start3A_393 = arith.constant 0 : i32
    %dma_start3A_394 = tpu.memref_slice %arg6[%dma_start3A_383, %dma_start3A_392, %dma_start3A_393] : memref<6x128x128xf32, #tpu.memory_space<vmem>> -> memref<1x128x128xf32, #tpu.memory_space<vmem>>
    %dma_start3A_395 = tpu.memref_squeeze %dma_start3A_394 : memref<1x128x128xf32, #tpu.memory_space<vmem>> -> memref<128x128xf32, #tpu.memory_space<vmem>>
    tpu.enqueue_dma source(%dma_start3A_395 : memref<128x128xf32, #tpu.memory_space<vmem>>) target(%dma_start3A_391 : memref<128x128xf32, #tpu.memory_space<hbm>>) target_semaphore(%arg14 : memref<!tpu.dma_semaphore, #tpu.memory_space<semaphore_mem>>)
    %dma_wait3A_396 = arith.constant 0 : i32
    %dma_wait3A_397 = arith.constant 0 : i32
    %dma_wait3A_398 = arith.constant 0 : i32
    %dma_wait3A_399 = tpu.memref_slice %arg6[%dma_wait3A_396, %dma_wait3A_397, %dma_wait3A_398] : memref<6x128x128xf32, #tpu.memory_space<vmem>> -> memref<1x128x128xf32, #tpu.memory_space<vmem>>
    %dma_wait3A_400 = tpu.memref_squeeze %dma_wait3A_399 : memref<1x128x128xf32, #tpu.memory_space<vmem>> -> memref<128x128xf32, #tpu.memory_space<vmem>>
    %dma_wait3A_401 = arith.constant 0 : i32
    %dma_wait3A_402 = tpu.memref_slice %arg4[%mul3A_2, %dma_wait3A_401] : memref<204800x128xf32, #tpu.memory_space<hbm>> -> memref<128x128xf32, #tpu.memory_space<hbm>>
    %dma_wait3A_403 = arith.constant 0 : i32
    %dma_wait3A_404 = tpu.memref_slice %arg4[%mul3A_2, %dma_wait3A_403] : memref<204800x128xf32, #tpu.memory_space<hbm>> -> memref<128x128xf32, #tpu.memory_space<hbm>>
    %dma_wait3A_405 = arith.constant 0 : i32
    %dma_wait3A_406 = arith.constant 0 : i32
    %dma_wait3A_407 = tpu.memref_slice %arg6[%dma_wait3A_396, %dma_wait3A_405, %dma_wait3A_406] : memref<6x128x128xf32, #tpu.memory_space<vmem>> -> memref<1x128x128xf32, #tpu.memory_space<vmem>>
    %dma_wait3A_408 = tpu.memref_squeeze %dma_wait3A_407 : memref<1x128x128xf32, #tpu.memory_space<vmem>> -> memref<128x128xf32, #tpu.memory_space<vmem>>
    tpu.wait_dma2 semaphore(%arg13 : memref<!tpu.dma_semaphore, #tpu.memory_space<semaphore_mem>>) src(%dma_wait3A_408 : memref<128x128xf32, #tpu.memory_space<vmem>>) dst(%dma_wait3A_404 : memref<128x128xf32, #tpu.memory_space<hbm>>)
    %dma_wait3A_409 = arith.constant 1 : i32
    %dma_wait3A_410 = arith.constant 0 : i32
    %dma_wait3A_411 = arith.constant 0 : i32
    %dma_wait3A_412 = tpu.memref_slice %arg6[%dma_wait3A_409, %dma_wait3A_410, %dma_wait3A_411] : memref<6x128x128xf32, #tpu.memory_space<vmem>> -> memref<1x128x128xf32, #tpu.memory_space<vmem>>
    %dma_wait3A_413 = tpu.memref_squeeze %dma_wait3A_412 : memref<1x128x128xf32, #tpu.memory_space<vmem>> -> memref<128x128xf32, #tpu.memory_space<vmem>>
    %dma_wait3A_414 = arith.constant 0 : i32
    %dma_wait3A_415 = tpu.memref_slice %arg4[%mul3A_2, %dma_wait3A_414] : memref<204800x128xf32, #tpu.memory_space<hbm>> -> memref<128x128xf32, #tpu.memory_space<hbm>>
    %dma_wait3A_416 = arith.constant 0 : i32
    %dma_wait3A_417 = tpu.memref_slice %arg4[%mul3A_2, %dma_wait3A_416] : memref<204800x128xf32, #tpu.memory_space<hbm>> -> memref<128x128xf32, #tpu.memory_space<hbm>>
    %dma_wait3A_418 = arith.constant 0 : i32
    %dma_wait3A_419 = arith.constant 0 : i32
    %dma_wait3A_420 = tpu.memref_slice %arg6[%dma_wait3A_409, %dma_wait3A_418, %dma_wait3A_419] : memref<6x128x128xf32, #tpu.memory_space<vmem>> -> memref<1x128x128xf32, #tpu.memory_space<vmem>>
    %dma_wait3A_421 = tpu.memref_squeeze %dma_wait3A_420 : memref<1x128x128xf32, #tpu.memory_space<vmem>> -> memref<128x128xf32, #tpu.memory_space<vmem>>
    tpu.wait_dma2 semaphore(%arg14 : memref<!tpu.dma_semaphore, #tpu.memory_space<semaphore_mem>>) src(%dma_wait3A_421 : memref<128x128xf32, #tpu.memory_space<vmem>>) dst(%dma_wait3A_417 : memref<128x128xf32, #tpu.memory_space<hbm>>)
    return
  }
}

</mosaic_0001>

<sc_bundles>
// kernel: kernel.3.cloned.1.call-start
scs
__scs_entry_jumppad:
0x0: {  	(pc) =	sbr.rel $0x88, $3  }
0x1: {  	(tag) =	ssettag $0x0;
	lr =	simm.s32 $0x1  }
0x2: {  	[smem:$0x3F9F] =	sst lr;
	_ =	strace $0xD0000000  }
0x3: {  	_ = 	snop  }
0x4: {  	_ = 	snop  }
0x5: {  	_ = 	snop  }
0x6: {  	_ = 	snop  }
0x7: {  	_ = 	snop  }
__scs_overlays_trampoline_lowered:
0x8: {  	[smem:$0x3FAE] =	sst s0  }
0x9: {  	[smem:$0x3FAF] =	sst s1  }
0xa: {  	[smem:$0x3FB0] =	sst s2  }
0xb: {  	[smem:$0x3FB1] =	sst s3  }
0xc: {  	[smem:$0x3FB2] =	sst s4  }
0xd: {  	[smem:$0x3FB3] =	sst s5  }
0xe: {  	[smem:$0x3FB4] =	sst s6  }
0xf: {  	[smem:$0x3FB5] =	sst s7  }
0x10: {  	[smem:$0x3FB6] =	sst s8  }
0x11: {  	[smem:$0x3FB7] =	sst s9;
	s0 =	simm.s32 @!p0 $0x0  }
0x12: {  	s1 =	sld [smem:$0x3F9D];
	s0 =	simm.s32 @p0 $0x1  }
0x13: {  	[smem:$0x3FB8] =	sst s0;
	s0 =	simm.s32 @!p1 $0x0  }
0x14: {  	s2 =	sld [smem:$0x3F9C];
	s0 =	simm.s32 @p1 $0x1  }
0x15: {  	[smem:$0x3FB9] =	sst s0;
	s0 =	simm.s32 @!p2 $0x0  }
0x16: {  	s3 =	sld [smem:$0x3FDB];
	s0 =	simm.s32 @p2 $0x1  }
0x17: {  	s4 =	simm.s32 $0x1BF5;
	[smem:$0x3FBB] =	sst s0  }
0x18: {  	s0 =	sld [smem:$0x3F9E];
	_ =	swait.ge [sflag:s4], $0x0  }
0x19: {  	s7 =	sld [smem:$0x3F9F]  }
0x1a: {  	s8 =	sadd.s32 $0xFFFFE003, lr  }
0x1b: {  	s9 =	sadd.s32 $0xFFFFFEF7, lr;
	s5 =	simm.s32 $0xFFFFFFFF;
	p2 =	slt.u32 s8, $0xFFFFF086  }
0x1c: {  	p1 =	slt.u32 s9, $0xF7A;
	s5 =	simm.s32 @!p2 $0x0  }
0x1d: {  	s5 =	simm.s32 @p1 $0x1;
	p0 =	seq.s32 s7, s2  }
0x1e: {  	s7 =	smul.u32 @!p0 $0xF7A, s2;
	p2 =	seq.s32 @!p0 s5, $0x0  }
0x1f: {  	s9 =	smul.u32 $0xF7A, s1;
	s8 =	simm.s32 @!p0 $0x1BF5;
	p2 =	por !p2, p0  }
0x20: {  	[sflag:s8] =	ssyncset.s32 @!p0 $0xFFFFF086;
	s6 =	sadd.s32 @!p0 s3, s7;
	s7 =	simm.s32 @!p0 $0x108  }
0x21: {  	s3 =	sadd.s32 s3, s9;
	s6 =	sadd.s32 @!p0 $0x88, s6;
	s7 =	simm.s32 @p2 $0x1082  }
0x22: {  	[simem:s7], [sflag:s8] =	dma.local @!p0 [hbm:s6], $0xF7A  }
0x23: {  	s9 =	sor.u32 $0xD0000000, s2;
	s6 =	simm.s32 $0x108;
	_ =	swait.ge @!p0 [sflag:s8], $0x0  }
0x24: {  	s3 =	sadd.s32 $0x88, s3;
	s6 =	simm.s32 @!p1 $0x1082;
	[sflag:s4] =	ssyncset.s32 $0xFFFFF086  }
0x25: {  	[simem:s6], [sflag:s4] =	dma.local [hbm:s3], $0xF7A  }
0x26: {  	[smem:$0x3F9F] =	sst s1;
	(tag) =	ssettag s2;
	_ =	strace s9  }
0x27: {  	s1 =	sld [smem:$0x3FAF]  }
0x28: {  	s2 =	sld [smem:$0x3FB0]  }
0x29: {  	s4 =	sld [smem:$0x3FB2]  }
0x2a: {  	p0 =	seq.s32 s5, $0x0;
	s5 =	sld [smem:$0x3FB3]  }
0x2b: {  	s6 =	sld [smem:$0x3FB4]  }
0x2c: {  	s7 =	sld [smem:$0x3FB5]  }
0x2d: {  	s3 =	simm.s32 $0x108;
	s8 =	sld [smem:$0x3FB6]  }
0x2e: {  	s3 =	simm.s32 @!p0 $0x1082;
	s9 =	sld [smem:$0x3FB7]  }
0x2f: {  	lr =	sadd.s32 s0, s3;
	s0 =	sld [smem:$0x3FAE]  }
0x30: {  	s3 =	sld [smem:$0x3FB1]  }
0x31: {  	[smem:$0x3FBA] =	sst s10  }
0x32: {  	s10 =	sld [smem:$0x3FB8];
	_ =	sdelay $0x3  }
0x33: {  	p0 =	seq.s32 s10, $0x1;
	s10 =	sld [smem:$0x3FBA];
	_ =	sdelay $0x3  }
0x34: {  	[smem:$0x3FBA] =	sst s10  }
0x35: {  	s10 =	sld [smem:$0x3FB9];
	_ =	sdelay $0x3  }
0x36: {  	p1 =	seq.s32 s10, $0x1;
	s10 =	sld [smem:$0x3FBA];
	_ =	sdelay $0x3  }
0x37: {  	[smem:$0x3FBA] =	sst s10  }
0x38: {  	s10 =	sld [smem:$0x3FBB]  }
0x39: {  	_ = 	snop;
	(pc) =	sbr.ind lr, $3  }
0x3a: {  	_ = 	snop  }
0x3b: {  	_ = 	snop  }
0x3c: {  	p2 =	seq.s32 s10, $0x1;
	s10 =	sld [smem:$0x3FBA]  }
0x3d: {  	_ =	shalt  }
0x3e: {  	_ =	shalt  }
0x3f: {  	_ =	shalt  }
0x40: {  	_ =	shalt  }
0x41: {  	_ =	shalt  }
0x42: {  	_ =	shalt  }
0x43: {  	_ =	shalt  }
0x44: {  	_ =	shalt  }
0x45: {  	_ =	shalt  }
0x46: {  	_ =	shalt  }
0x47: {  	_ =	shalt  }
0x48: {  	_ =	shalt  }
0x49: {  	_ =	shalt  }
0x4a: {  	_ =	shalt  }
0x4b: {  	_ =	shalt  }
0x4c: {  	_ =	shalt  }
0x4d: {  	_ =	shalt  }
0x4e: {  	_ =	shalt  }
0x4f: {  	_ =	shalt  }
0x50: {  	_ =	shalt  }
0x51: {  	_ =	shalt  }
0x52: {  	_ =	shalt  }
0x53: {  	_ =	shalt  }
0x54: {  	_ =	shalt  }
0x55: {  	_ =	shalt  }
0x56: {  	_ =	shalt  }
0x57: {  	_ =	shalt  }
0x58: {  	_ =	shalt  }
0x59: {  	_ =	shalt  }
0x5a: {  	_ =	shalt  }
0x5b: {  	_ =	shalt  }
0x5c: {  	_ =	shalt  }
0x5d: {  	_ =	shalt  }
0x5e: {  	_ =	shalt  }
0x5f: {  	_ =	shalt  }
0x60: {  	_ =	shalt  }
0x61: {  	_ =	shalt  }
0x62: {  	_ =	shalt  }
0x63: {  	_ =	shalt  }
0x64: {  	_ =	shalt  }
0x65: {  	_ =	shalt  }
0x66: {  	_ =	shalt  }
0x67: {  	_ =	shalt  }
0x68: {  	_ =	shalt  }
0x69: {  	_ =	shalt  }
0x6a: {  	_ =	shalt  }
0x6b: {  	_ =	shalt  }
0x6c: {  	_ =	shalt  }
0x6d: {  	_ =	shalt  }
0x6e: {  	_ =	shalt  }
0x6f: {  	_ =	shalt  }
0x70: {  	_ =	shalt  }
0x71: {  	_ =	shalt  }
0x72: {  	_ =	shalt  }
0x73: {  	_ =	shalt  }
0x74: {  	_ =	shalt  }
0x75: {  	_ =	shalt  }
0x76: {  	_ =	shalt  }
0x77: {  	_ =	shalt  }
0x78: {  	_ =	shalt  }
0x79: {  	_ =	shalt  }
0x7a: {  	_ =	shalt  }
0x7b: {  	_ =	shalt  }
0x7c: {  	_ =	shalt  }
0x7d: {  	_ =	shalt  }
0x7e: {  	_ =	shalt  }
0x7f: {  	_ =	shalt  }
0x80: {  	_ =	shalt  }
0x81: {  	_ =	shalt  }
0x82: {  	_ =	shalt  }
0x83: {  	_ =	shalt  }
0x84: {  	_ =	shalt  }
0x85: {  	_ =	shalt  }
0x86: {  	_ =	shalt  }
0x87: {  	_ =	shalt  }
.Lfunc_end0:
.L_simem_size_0:
called_computation.1_lowered:
.L_overlay_start_0:
0x88: {  	s2 =	sld [smem:$0x3FD9]  }
0x89: {  	s3 =	sld [smem:$0x3FFE];
	_ =	sdelay $0x1  }
0x8a: {  	s1 =	srdreg.scid  }
0x8b: {  	s0 =	sand.u32 $0x1, s1  }
0x8c: {  	s17 =	sshll.u32 s0, $0xA;
	s2 =	sadd.s32 s3, s2  }
0x8d: {  	s2 =	sadd.s32 s2, s17  }
0x8e: {  	[smem:$0x3FC6] =	sst s2  }
0x8f: {  	_ = 	snop  }
0x90: {  	s2 =	sld [smem:$0x3FC8]  }
0x91: {  	s18 =	sld [smem:$0x3FD0];
	(tm) =	ssettm $0x1  }
0x92: {  	s4 =	sld [smem:$0x3FFB];
	_ =	sdelay $0x3  }
0x93: {  	_ =	strace s4  }
0x94: {  	s4 =	sld [smem:$0x3FFC];
	_ =	sdelay $0x3  }
0x95: {  	_ =	strace s4  }
0x96: {  	s4 =	sld [smem:$0x3FFD];
	_ =	sdelay $0x3  }
0x97: {  	_ =	strace s4  }
0x98: {  	_ =	strace $0x8FFFFFFF  }
0x99: {  	s19 =	sld [smem:$0x3FDB];
	_ =	sdelay $0x1  }
0x9a: {  	s5 =	simm.s32 $_scs_section_size  }
0x9b: {  	s6 =	simm.s32 $_size__tile_overlayer_lowered;
	s7 =	simm.s32 $_tile_overlayer_lowered  }
0x9c: {  	s22 =	simm.s32 $0x1BFF;
	s21 =	sshll.u32 s7, $0x1;
	s4 =	sadd.s32 s5, s19  }
0x9d: {  	s8 =	simm.s32 $0x0;
	s20 =	sshll.u32 s6, $0x1;
	s6 =	sadd.s32 s21, s4  }
0x9e: {  	[timem:s8], [sflag:s22] =	dma.local [hbm:s6], s20  }
0x9f: {  	_ =	swait.ge [sflag:s22], s20  }
0xa0: {  	s5 =	ssub.s32 $0x0, s20;
	[sflag:s22] =	ssyncset.done $0x0  }
0xa1: {  	[sflag:s22] =	ssyncadd.s32 s5;
	_ =	sdelay $0x1  }
0xa2: {  	s23 =	simm.s32 $0x1B8B  }
0xa3: {  	_ =	swait.ge [sflag:s23], $0x1  }
0xa4: {  	[sflag:s23] =	ssyncset.done $0x0  }
0xa5: {  	s25 =	simm.s32 $0x1B8E;
	s24 =	sld [smem:$0x3FFE];
	[sflag:s23] =	ssyncadd.s32 $0xFFFFFFFF  }
0xa6: {  	s26 =	simm.s32 $execute0_lowered;
	[smem:$0x3FD2] =	sst s25  }
0xa7: {  	s6 =	sshll.u32 s26, $0x1;
	_ =	strace $0x80000046;
	[dreg:$0x1] =	wrdreg $0xFFFFFFFF  }
0xa8: {  	s28 =	simm.s32 $_size_execute0_lowered;
	s4 =	sadd.s32 s4, s6;
	[dreg:$0x0] =	wrdreg $0x0  }
0xa9: {  	s6 =	sshll.u32 s28, $0x1;
	[dreg:$0x2] =	wrdreg s4  }
0xaa: {  	[dreg:$0x3] =	wrdreg s6  }
0xab: {  	[dreg:$0x4] =	wrdreg $0xC0  }
0xac: {  	_ =	task [dreg:s8], $0x5FFFF  }
0xad: {  	[dreg:$0x1] =	wrdreg $0xFFFFFFFF  }
0xae: {  	[dreg:$0x0] =	wrdreg $0x60  }
0xaf: {  	[dreg:$0x2] =	wrdreg s24  }
0xb0: {  	[dreg:$0x3] =	wrdreg s2  }
0xb1: {  	[dreg:$0x4] =	wrdreg s18  }
0xb2: {  	[dreg:$0x5] =	wrdreg $0x9  }
0xb3: {  	_ =	task.clear_ibuf [dreg:s8], $0x6FFFF;
	_ =	strace $0x90000046  }
0xb4: {  	s29 =	simm.s32 $0x9;
	_ =	strace $0x80000048  }
0xb5: {  	_ =	swait.ge [sflag:s29], $0x1  }
0xb6: {  	[sflag:s29] =	ssyncadd.s32 $0xFFFFFFFF  }
0xb7: {  	_ =	strace $0x90000048  }
0xb8: {  	_ =	sfence  }
0xb9: {  	s30 =	sld [smem:$0x0];
	_ =	sdelay $0x2  }
0xba: {  	s31 =	sshll.u32 s1, $0xD;
	s1 =	sshrl.u32 s1, $0x2  }
0xbb: {  	s3 =	sand.u32 $0x4000, s31;
	s1 =	sadd.s32 s1, s30  }
0xbc: {  	s0 =	sor.u32 s3, s0;
	s1 =	sshll.u32 s1, $0x11  }
0xbd: {  	s0 =	sor.u32 s1, s0  }
0xbe: {  	s0 =	sadd.s32 $0x8F2B, s0  }
0xbf: {  	[sflag:s0] =	ssyncadd.remote.s32 $0x1  }
0xc0: {  	_ =	sfence.sel $0xFFFF  }
0xc1: {  	[dreg:$0x0] =	wrdreg $0xFFFFFFFF;
	(pc) =	sbr.abs _section_cstart, $3  }
0xc2: {  	[dreg:$0x1] =	wrdreg $0xFFFFFFFF  }
0xc3: {  	_ =	task.clear_ibuf [dreg:s8], $0x2FFFF;
	_ =	strace $0x9FFFFFFF  }
0xc4: {  	(tm) =	ssettm $0x7FFFFFFF  }
0xc5: {  	_ =	shalt  }
tec
execute0_lowered:
.L_overlay_start_1:
0x0: {  	(tag) =	ssettag $0x1  }
0x1: {  	s0 =	rddreg [dreg:$0x0]  }
0x2: {  	s2 =	rddreg [dreg:$0x1];
	s1 =	srdreg.scid  }
0x3: {  	s9 =	stileid.u32;
	s4 =	rddreg [dreg:$0x2];
	s3 =	simm.s32 $0x0  }
0x4: {  	s15 =	simm.s32 $0xD;
	s16 =	simm.s32 $0x80;
	s17 =	simm.s32 $0x1C00  }
0x5: {  	s18 =	simm.s32 $0x5C00;
	s28 =	simm.s32 $0x15C00;
	s29 =	simm.s32 $0x2  }
0x6: {  	s1 =	sand.u32 $0x1, s1;
	s5 =	sshll.u32 s9, $0x1;
	s22 =	smul.u32 $0x32000, s9  }
0x7: {  	s5 =	sor.u32 s1, s5;
	s7 =	ssub.s32 $0x2, s1;
	s1 =	smul.u32 $0x19000, s1  }
0x8: {  	s30 =	simm.s32 $0x7;
	s31 =	simm.s32 $0x3;
	s6 =	smul.u32 $0x380, s5  }
0x9: {  	s19 =	simm.s32 $0x9;
	[smem:$0x7FF] =	sst s3;
	s8 =	smul.u32 $0xC8000, s5  }
0xa: {  	_ =	strace $0x80000047;
	s20 =	sshrl.u32 s7, $0x1;
	s5 =	smul.u32 $0x19000, s5  }
0xb: {  	s0 =	sadd.s32 s6, s0;
	s6 =	ssub.s32 s7, s20;
	s21 =	sshrl.u32 s8, $0x3  }
0xc: {  	s5 =	sadd.s32 s4, s5;
	s20 =	simm.s32 $0x9C00;
	s7 =	simm.s32 $0x0  }
0xd: {  	s0 =	sadd.s32 $0x800, s0;
	[dreg:$0x5] =	wrdreg s5;
	s5 =	sadd.s32 $0x800, s5  }
0xe: {  	s13 =	smax.u32 s6, $0x1;
	s6 =	simm.s32 $0xC;
	[dreg:$0x4] =	wrdreg s0  }
0xf: {  	s0 =	sadd.s32 s4, s21;
	[dreg:$0x6] =	wrdreg s5;
	s4 =	sadd.s32 s22, s4  }
0x10: {  	s22 =	simm.s32 $0xDC00;
	s21 =	simm.s32 $0x5;
	s23 =	sadd.s32 $0x16000, s0  }
0x11: {  	s24 =	sadd.s32 $0x16800, s0;
	s25 =	sadd.s32 $0x17000, s0;
	[dreg:$0x7] =	wrdreg s23  }
0x12: {  	s26 =	sadd.s32 $0x17800, s0;
	s11 =	sadd.s32 $0x18000, s0;
	[dreg:$0x8] =	wrdreg s24  }
0x13: {  	s1 =	sadd.s32 s1, s4;
	s12 =	sadd.s32 $0x18800, s0;
	[dreg:$0x9] =	wrdreg s25  }
0x14: {  	s0 =	simm.s32 $0x4;
	s4 =	simm.s32 $0xB;
	[dreg:$0xa] =	wrdreg s26  }
0x15: {  	s14 =	sadd.s32 $0x2000, s1;
	s24 =	simm.s32 $0x11C00;
	s25 =	simm.s32 $0x1  }
0x16: {  	s1 =	simm.s32 $0x8;
	s23 =	simm.s32 $0xA;
	s26 =	simm.s32 $0x6  }
.LBB2_1:
0x17: {  	s5 =	rddreg [dreg:$0x4]  }
0x18: {  	[tilespmem:s3], [sflag:$0xD] =	stream.linear.gather [hbm4b:s5+s3], $0x1900, $0x38;
	[tilespmem:$0x19C00] =	vst v63  }
0x19: {  	_ =	swait.ge [sflag:s15], $0x1900  }
0x1a: {  	[sflag:s15] =	ssyncset.done $0x0  }
0x1b: {  	[sflag:s15] =	ssyncadd.s32 $0xFFFFE700  }
0x1c: {  	[tilespmem:s17], [sflag:$0x1] =	stream.indirect.gather [hbm4b:s2+s16], $0x80, s3, s16, $0xb8;
	[tilespmem:$0x19C00] =	vst v63  }
0x1d: {  	_ = 	snop  }
0x1e: {  	[tilespmem:s18], [sflag:$0x2] =	stream.indirect.gather [hbm4b:s2+s16], $0x80, s16, s16, $0xb8;
	[tilespmem:$0x19C00] =	vst v63  }
0x1f: {  	s8 =	simm.s32 $0x100  }
0x20: {  	[tilespmem:s20], [sflag:$0x3] =	stream.indirect.gather [hbm4b:s2+s16], $0x80, s8, s16, $0xb8;
	[tilespmem:$0x19C00] =	vst v63  }
0x21: {  	s9 =	simm.s32 $0x180  }
0x22: {  	[tilespmem:s22], [sflag:$0x4] =	stream.indirect.gather [hbm4b:s2+s16], $0x80, s9, s16, $0xb8;
	[tilespmem:$0x19C00] =	vst v63  }
0x23: {  	s10 =	simm.s32 $0x200  }
0x24: {  	[tilespmem:s24], [sflag:$0x5] =	stream.indirect.gather [hbm4b:s2+s16], $0x80, s10, s16, $0xb8;
	[tilespmem:$0x19C00] =	vst v63  }
0x25: {  	_ =	swait.ge [sflag:s25], $0x4000  }
0x26: {  	[sflag:s25] =	ssyncset.done $0x0  }
0x27: {  	s8 =	rddreg [dreg:$0x5];
	[sflag:s25] =	ssyncadd.s32 $0xFFFFC000  }
0x28: {  	[hbm4b:s8+s3] =	stream.linear.scatter [tilespmem:s17], [sflag:$0x7], $0x4000, $0x38;
	[tilespmem:$0x19C00] =	vst v63  }
0x29: {  	s9 =	simm.s32 $0x280  }
0x2a: {  	[tilespmem:s28], [sflag:$0x6] =	stream.indirect.gather [hbm4b:s2+s16], $0x80, s9, s16, $0xb8;
	[tilespmem:$0x19C00] =	vst v63  }
0x2b: {  	_ =	swait.ge [sflag:s29], $0x4000  }
0x2c: {  	[sflag:s29] =	ssyncset.done $0x0  }
0x2d: {  	s10 =	rddreg [dreg:$0x6];
	[sflag:s29] =	ssyncadd.s32 $0xFFFFC000  }
0x2e: {  	[hbm4b:s10+s3] =	stream.linear.scatter [tilespmem:s18], [sflag:$0x8], $0x4000, $0x38;
	[tilespmem:$0x19C00] =	vst v63  }
0x2f: {  	_ =	swait.ge [sflag:s30], $0x4000  }
0x30: {  	[sflag:s30] =	ssyncset.done $0x0  }
0x31: {  	s8 =	simm.s32 $0x300;
	[sflag:s30] =	ssyncadd.s32 $0xFFFFC000  }
0x32: {  	[tilespmem:s17], [sflag:$0x1] =	stream.indirect.gather [hbm4b:s2+s16], $0x80, s8, s16, $0xb8;
	[tilespmem:$0x19C00] =	vst v63  }
0x33: {  	_ =	swait.ge [sflag:s31], $0x4000  }
0x34: {  	[sflag:s31] =	ssyncset.done $0x0  }
0x35: {  	s5 =	sadd.s32 $0xFFFFF000, s14;
	[sflag:s31] =	ssyncadd.s32 $0xFFFFC000  }
0x36: {  	[hbm4b:s5+s3] =	stream.linear.scatter [tilespmem:s20], [sflag:$0x9], $0x4000, $0x38;
	[tilespmem:$0x19C00] =	vst v63  }
0x37: {  	_ =	swait.ge [sflag:s1], $0x4000  }
0x38: {  	[sflag:s1] =	ssyncset.done $0x0  }
0x39: {  	s9 =	simm.s32 $0x380;
	[sflag:s1] =	ssyncadd.s32 $0xFFFFC000  }
0x3a: {  	[tilespmem:s18], [sflag:$0x2] =	stream.indirect.gather [hbm4b:s2+s16], $0x80, s9, s16, $0xb8;
	[tilespmem:$0x19C00] =	vst v63  }
0x3b: {  	_ =	swait.ge [sflag:s0], $0x4000  }
0x3c: {  	[sflag:s0] =	ssyncset.done $0x0  }
0x3d: {  	s10 =	sadd.s32 $0xFFFFF800, s14;
	[sflag:s0] =	ssyncadd.s32 $0xFFFFC000  }
0x3e: {  	[hbm4b:s10+s3] =	stream.linear.scatter [tilespmem:s22], [sflag:$0xA], $0x4000, $0x38;
	[tilespmem:$0x19C00] =	vst v63  }
0x3f: {  	_ =	swait.ge [sflag:s19], $0x4000  }
0x40: {  	[sflag:s19] =	ssyncset.done $0x0  }
0x41: {  	s5 =	simm.s32 $0x400;
	[sflag:s19] =	ssyncadd.s32 $0xFFFFC000  }
0x42: {  	[tilespmem:s20], [sflag:$0x3] =	stream.indirect.gather [hbm4b:s2+s16], $0x80, s5, s16, $0xb8;
	[tilespmem:$0x19C00] =	vst v63  }
0x43: {  	_ =	swait.ge [sflag:s21], $0x4000  }
0x44: {  	[sflag:s21] =	ssyncset.done $0x0  }
0x45: {  	[sflag:s21] =	ssyncadd.s32 $0xFFFFC000  }
0x46: {  	[hbm4b:s14+s3] =	stream.linear.scatter [tilespmem:s24], [sflag:$0xB], $0x4000, $0x38;
	[tilespmem:$0x19C00] =	vst v63  }
0x47: {  	_ =	swait.ge [sflag:s23], $0x4000  }
0x48: {  	[sflag:s23] =	ssyncset.done $0x0  }
0x49: {  	s9 =	simm.s32 $0x480;
	[sflag:s23] =	ssyncadd.s32 $0xFFFFC000  }
0x4a: {  	[tilespmem:s22], [sflag:$0x4] =	stream.indirect.gather [hbm4b:s2+s16], $0x80, s9, s16, $0xb8;
	[tilespmem:$0x19C00] =	vst v63  }
0x4b: {  	_ =	swait.ge [sflag:s26], $0x4000  }
0x4c: {  	[sflag:s26] =	ssyncset.done $0x0  }
0x4d: {  	s10 =	sadd.s32 $0x800, s14;
	[sflag:s26] =	ssyncadd.s32 $0xFFFFC000  }
0x4e: {  	[hbm4b:s10+s3] =	stream.linear.scatter [tilespmem:s28], [sflag:$0xC], $0x4000, $0x38;
	[tilespmem:$0x19C00] =	vst v63  }
0x4f: {  	_ =	swait.ge [sflag:s4], $0x4000  }
0x50: {  	[sflag:s4] =	ssyncset.done $0x0  }
0x51: {  	s5 =	simm.s32 $0x500;
	[sflag:s4] =	ssyncadd.s32 $0xFFFFC000  }
0x52: {  	[tilespmem:s24], [sflag:$0x5] =	stream.indirect.gather [hbm4b:s2+s16], $0x80, s5, s16, $0xb8;
	[tilespmem:$0x19C00] =	vst v63  }
0x53: {  	_ =	swait.ge [sflag:s25], $0x4000  }
0x54: {  	[sflag:s25] =	ssyncset.done $0x0  }
0x55: {  	s9 =	sadd.s32 $0x1000, s14;
	[sflag:s25] =	ssyncadd.s32 $0xFFFFC000  }
0x56: {  	[hbm4b:s9+s3] =	stream.linear.scatter [tilespmem:s17], [sflag:$0x7], $0x4000, $0x38;
	[tilespmem:$0x19C00] =	vst v63  }
0x57: {  	_ =	swait.ge [sflag:s6], $0x4000  }
0x58: {  	[sflag:s6] =	ssyncset.done $0x0  }
0x59: {  	s10 =	simm.s32 $0x580;
	[sflag:s6] =	ssyncadd.s32 $0xFFFFC000  }
0x5a: {  	[tilespmem:s28], [sflag:$0x6] =	stream.indirect.gather [hbm4b:s2+s16], $0x80, s10, s16, $0xb8;
	[tilespmem:$0x19C00] =	vst v63  }
0x5b: {  	_ =	swait.ge [sflag:s29], $0x4000  }
0x5c: {  	s8 =	simm.s32 $0xC00;
	[sflag:s29] =	ssyncset.done $0x0  }
0x5d: {  	s9 =	sadd.s32 $0x3000, s14;
	s10 =	sadd.s32 $0x1800, s14;
	[sflag:s29] =	ssyncadd.s32 $0xFFFFC000  }
.LBB2_2:
0x5e: {  	[hbm4b:s10+s3] =	stream.linear.scatter [tilespmem:s18], [sflag:$0x8], $0x4000, $0x38;
	[tilespmem:$0x19C00] =	vst v63  }
0x5f: {  	s10 =	smov.u32 s8  }
0x60: {  	p0 =	sne.s32 s8, $0x4800;
	s8 =	sadd.s32 $0xC00, s8;
	_ =	swait.ge [sflag:s30], $0x4000  }
0x61: {  	s10 =	sshra.s32 s10, $0x2;
	[sflag:s30] =	ssyncset.done $0x0  }
0x62: {  	s5 =	sadd.s32 $0x300, s10;
	[sflag:s30] =	ssyncadd.s32 $0xFFFFC000  }
0x63: {  	[tilespmem:s17], [sflag:$0x1] =	stream.indirect.gather [hbm4b:s2+s16], $0x80, s5, s16, $0xb8;
	[tilespmem:$0x19C00] =	vst v63  }
0x64: {  	_ =	swait.ge [sflag:s31], $0x4000  }
0x65: {  	[sflag:s31] =	ssyncset.done $0x0  }
0x66: {  	s5 =	sadd.s32 $0xFFFFF000, s9;
	[sflag:s31] =	ssyncadd.s32 $0xFFFFC000  }
0x67: {  	[hbm4b:s5+s3] =	stream.linear.scatter [tilespmem:s20], [sflag:$0x9], $0x4000, $0x38;
	[tilespmem:$0x19C00] =	vst v63  }
0x68: {  	_ =	swait.ge [sflag:s1], $0x4000  }
0x69: {  	[sflag:s1] =	ssyncset.done $0x0  }
0x6a: {  	s5 =	sadd.s32 $0x380, s10;
	[sflag:s1] =	ssyncadd.s32 $0xFFFFC000  }
0x6b: {  	[tilespmem:s18], [sflag:$0x2] =	stream.indirect.gather [hbm4b:s2+s16], $0x80, s5, s16, $0xb8;
	[tilespmem:$0x19C00] =	vst v63  }
0x6c: {  	_ =	swait.ge [sflag:s0], $0x4000  }
0x6d: {  	[sflag:s0] =	ssyncset.done $0x0  }
0x6e: {  	s5 =	sadd.s32 $0xFFFFF800, s9;
	[sflag:s0] =	ssyncadd.s32 $0xFFFFC000  }
0x6f: {  	[hbm4b:s5+s3] =	stream.linear.scatter [tilespmem:s22], [sflag:$0xA], $0x4000, $0x38;
	[tilespmem:$0x19C00] =	vst v63  }
0x70: {  	_ =	swait.ge [sflag:s19], $0x4000  }
0x71: {  	[sflag:s19] =	ssyncset.done $0x0  }
0x72: {  	s5 =	sadd.s32 $0x400, s10;
	[sflag:s19] =	ssyncadd.s32 $0xFFFFC000  }
0x73: {  	[tilespmem:s20], [sflag:$0x3] =	stream.indirect.gather [hbm4b:s2+s16], $0x80, s5, s16, $0xb8;
	[tilespmem:$0x19C00] =	vst v63  }
0x74: {  	_ =	swait.ge [sflag:s21], $0x4000  }
0x75: {  	[sflag:s21] =	ssyncset.done $0x0  }
0x76: {  	[sflag:s21] =	ssyncadd.s32 $0xFFFFC000  }
0x77: {  	[hbm4b:s9+s3] =	stream.linear.scatter [tilespmem:s24], [sflag:$0xB], $0x4000, $0x38;
	[tilespmem:$0x19C00] =	vst v63  }
0x78: {  	_ =	swait.ge [sflag:s23], $0x4000  }
0x79: {  	[sflag:s23] =	ssyncset.done $0x0  }
0x7a: {  	s5 =	sadd.s32 $0x480, s10;
	[sflag:s23] =	ssyncadd.s32 $0xFFFFC000  }
0x7b: {  	[tilespmem:s22], [sflag:$0x4] =	stream.indirect.gather [hbm4b:s2+s16], $0x80, s5, s16, $0xb8;
	[tilespmem:$0x19C00] =	vst v63  }
0x7c: {  	_ =	swait.ge [sflag:s26], $0x4000  }
0x7d: {  	[sflag:s26] =	ssyncset.done $0x0  }
0x7e: {  	s5 =	sadd.s32 $0x800, s9;
	[sflag:s26] =	ssyncadd.s32 $0xFFFFC000  }
0x7f: {  	[hbm4b:s5+s3] =	stream.linear.scatter [tilespmem:s28], [sflag:$0xC], $0x4000, $0x38;
	[tilespmem:$0x19C00] =	vst v63  }
0x80: {  	_ =	swait.ge [sflag:s4], $0x4000  }
0x81: {  	[sflag:s4] =	ssyncset.done $0x0  }
0x82: {  	s5 =	sadd.s32 $0x500, s10;
	[sflag:s4] =	ssyncadd.s32 $0xFFFFC000  }
0x83: {  	[tilespmem:s24], [sflag:$0x5] =	stream.indirect.gather [hbm4b:s2+s16], $0x80, s5, s16, $0xb8;
	[tilespmem:$0x19C00] =	vst v63  }
0x84: {  	_ =	swait.ge [sflag:s25], $0x4000  }
0x85: {  	[sflag:s25] =	ssyncset.done $0x0  }
0x86: {  	s5 =	sadd.s32 $0x1000, s9;
	[sflag:s25] =	ssyncadd.s32 $0xFFFFC000  }
0x87: {  	[hbm4b:s5+s3] =	stream.linear.scatter [tilespmem:s17], [sflag:$0x7], $0x4000, $0x38;
	[tilespmem:$0x19C00] =	vst v63  }
0x88: {  	_ =	swait.ge [sflag:s6], $0x4000  }
0x89: {  	[sflag:s6] =	ssyncset.done $0x0  }
.Ltmp0:
0x8a: {  	s5 =	sadd.s32 $0x580, s10;
	[sflag:s6] =	ssyncadd.s32 $0xFFFFC000;
	(pc) =	sbr.rel @p0 .LBB2_2-.Ltmp0, $4  }
0x8b: {  	[tilespmem:s28], [sflag:$0x6] =	stream.indirect.gather [hbm4b:s2+s16], $0x80, s5, s16, $0xb8;
	[tilespmem:$0x19C00] =	vst v63  }
0x8c: {  	_ =	swait.ge [sflag:s29], $0x4000  }
0x8d: {  	[sflag:s29] =	ssyncset.done $0x0  }
0x8e: {  	s10 =	sadd.s32 $0x1800, s9;
	s9 =	sadd.s32 $0x3000, s9;
	[sflag:s29] =	ssyncadd.s32 $0xFFFFC000  }
0x8f: {  	[hbm4b:s10+s3] =	stream.linear.scatter [tilespmem:s18], [sflag:$0x8], $0x4000, $0x38;
	[tilespmem:$0x19C00] =	vst v63  }
0x90: {  	_ =	swait.ge [sflag:s30], $0x4000  }
0x91: {  	[sflag:s30] =	ssyncset.done $0x0  }
0x92: {  	s5 =	simm.s32 $0x1800;
	[sflag:s30] =	ssyncadd.s32 $0xFFFFC000  }
0x93: {  	[tilespmem:s17], [sflag:$0x1] =	stream.indirect.gather [hbm4b:s2+s16], $0x80, s5, s16, $0xb8;
	[tilespmem:$0x19C00] =	vst v63  }
0x94: {  	_ =	swait.ge [sflag:s31], $0x4000  }
0x95: {  	[sflag:s31] =	ssyncset.done $0x0  }
0x96: {  	s9 =	rddreg [dreg:$0x7];
	[sflag:s31] =	ssyncadd.s32 $0xFFFFC000  }
0x97: {  	[hbm4b:s9+s3] =	stream.linear.scatter [tilespmem:s20], [sflag:$0x9], $0x4000, $0x38;
	[tilespmem:$0x19C00] =	vst v63  }
0x98: {  	_ =	swait.ge [sflag:s1], $0x4000  }
0x99: {  	[sflag:s1] =	ssyncset.done $0x0  }
0x9a: {  	s10 =	simm.s32 $0x1880;
	[sflag:s1] =	ssyncadd.s32 $0xFFFFC000  }
0x9b: {  	[tilespmem:s18], [sflag:$0x2] =	stream.indirect.gather [hbm4b:s2+s16], $0x80, s10, s16, $0xb8;
	[tilespmem:$0x19C00] =	vst v63  }
0x9c: {  	_ =	swait.ge [sflag:s0], $0x4000  }
0x9d: {  	[sflag:s0] =	ssyncset.done $0x0  }
0x9e: {  	s8 =	rddreg [dreg:$0x8];
	[sflag:s0] =	ssyncadd.s32 $0xFFFFC000  }
0x9f: {  	[hbm4b:s8+s3] =	stream.linear.scatter [tilespmem:s22], [sflag:$0xA], $0x4000, $0x38;
	[tilespmem:$0x19C00] =	vst v63  }
0xa0: {  	_ =	swait.ge [sflag:s19], $0x4000  }
0xa1: {  	[sflag:s19] =	ssyncset.done $0x0  }
0xa2: {  	[sflag:s19] =	ssyncadd.s32 $0xFFFFC000  }
0xa3: {  	_ =	swait.ge [sflag:s21], $0x4000  }
0xa4: {  	[sflag:s21] =	ssyncset.done $0x0  }
0xa5: {  	s9 =	rddreg [dreg:$0x9];
	[sflag:s21] =	ssyncadd.s32 $0xFFFFC000  }
0xa6: {  	[hbm4b:s9+s3] =	stream.linear.scatter [tilespmem:s24], [sflag:$0xB], $0x4000, $0x38;
	[tilespmem:$0x19C00] =	vst v63  }
0xa7: {  	_ =	swait.ge [sflag:s23], $0x4000  }
0xa8: {  	[sflag:s23] =	ssyncset.done $0x0  }
0xa9: {  	[sflag:s23] =	ssyncadd.s32 $0xFFFFC000  }
0xaa: {  	_ =	swait.ge [sflag:s26], $0x4000  }
0xab: {  	[sflag:s26] =	ssyncset.done $0x0  }
0xac: {  	s10 =	rddreg [dreg:$0xa];
	[sflag:s26] =	ssyncadd.s32 $0xFFFFC000  }
0xad: {  	[hbm4b:s10+s3] =	stream.linear.scatter [tilespmem:s28], [sflag:$0xC], $0x4000, $0x38;
	[tilespmem:$0x19C00] =	vst v63  }
0xae: {  	_ =	swait.ge [sflag:s4], $0x4000  }
0xaf: {  	[sflag:s4] =	ssyncset.done $0x0  }
0xb0: {  	[sflag:s4] =	ssyncadd.s32 $0xFFFFC000  }
0xb1: {  	_ =	swait.ge [sflag:s25], $0x4000  }
0xb2: {  	[sflag:s25] =	ssyncset.done $0x0  }
0xb3: {  	[sflag:s25] =	ssyncadd.s32 $0xFFFFC000  }
0xb4: {  	[hbm4b:s11+s3] =	stream.linear.scatter [tilespmem:s17], [sflag:$0x7], $0x4000, $0x38;
	[tilespmem:$0x19C00] =	vst v63  }
0xb5: {  	_ =	swait.ge [sflag:s6], $0x4000  }
0xb6: {  	[sflag:s6] =	ssyncset.done $0x0  }
0xb7: {  	[sflag:s6] =	ssyncadd.s32 $0xFFFFC000  }
0xb8: {  	_ =	swait.ge [sflag:s29], $0x4000  }
0xb9: {  	[sflag:s29] =	ssyncset.done $0x0  }
0xba: {  	s7 =	sadd.s32 $0x1, s7;
	[sflag:s29] =	ssyncadd.s32 $0xFFFFC000  }
0xbb: {  	[hbm4b:s12+s3] =	stream.linear.scatter [tilespmem:s18], [sflag:$0x8], $0x4000, $0x38;
	[tilespmem:$0x19C00] =	vst v63  }
0xbc: {  	p0 =	sne.s32 s7, s13;
	_ =	swait.ge [sflag:s30], $0x4000  }
.Ltmp1:
0xbd: {  	[sflag:s30] =	ssyncset.done $0x0;
	(pc) =	sbr.rel @p0 .LBB2_1-.Ltmp1, $4  }
0xbe: {  	[sflag:s30] =	ssyncadd.s32 $0xFFFFC000  }
0xbf: {  	_ =	swait.ge [sflag:s1], $0x4000  }
0xc0: {  	[sflag:s1] =	ssyncset.done $0x0  }
0xc1: {  	[sflag:s1] =	ssyncadd.s32 $0xFFFFC000  }
0xc2: {  	_ =	sfence.sel $0x180000  }
0xc3: {  	[bflag:$0x0] =	sbarrier.arrive $0xFFFF  }
0xc4: {  	_ =	strace $0x90000047  }
0xc5: {  	s0 =	stileid.u32;
	[bflag:$0x2] =	sbarrier.arrive $0xFFFF  }
0xc6: {  	p0 =	sne.s32 s0, $0x0;
	s0 =	rddreg [dreg:$0x3]  }
0xc7: {  	s0 =	sadd.s32 @!p0 $0x100000, s0  }
0xc8: {  	[sflag:s0] =	ssyncadd.tile.s32 @!p0 $0x1;
	_ =	shalt  }
.Lfunc_end2:
_tile_overlayer_lowered:
.L_overlay_start_2:
0xc9: {  	(tag) =	ssettag $0x2  }
0xca: {  	s0 =	rddreg [dreg:$0x0];
	s2 =	stileid.u32  }
0xcb: {  	s1 =	rddreg [dreg:$0x1];
	p0 =	sne.s32 s2, $0x0  }
0xcc: {  	s3 =	rddreg [dreg:$0x2];
	[bflag:$0x3] =	sbarrier.arrive $0xFFFF;
	s2 =	simm.s32 @!p0 $0x1C0D  }
0xcd: {  	[timem:s3], [sflag:s2] =	dma.local @!p0 [hbm:s0], s1  }
0xce: {  	s0 =	simm.s32 @!p0 $0xD  }
0xcf: {  	_ =	swait.ge @!p0 [sflag:s0], s1  }
0xd0: {  	s1 =	ssub.s32 @!p0 $0x0, s1;
	[sflag:s0] =	ssyncset.done @!p0 $0x0  }
0xd1: {  	[sflag:s0] =	ssyncadd.s32 @!p0 s1  }
0xd2: {  	[bflag:$0x3] =	sbarrier.arrive $0xFFFF  }
0xd3: {  	_ =	shalt  }

// kernel: sparse-core-data-format-call.cloned.1.call-start
scs
called_computation_lowered:
.L_overlay_start_0:
0x0: {  	s2 =	sld [smem:$0x3FD9]  }
0x1: {  	s3 =	sld [smem:$0x3FFE];
	_ =	sdelay $0x1  }
0x2: {  	s1 =	srdreg.scid  }
0x3: {  	s0 =	sand.u32 $0x1, s1  }
0x4: {  	s18 =	sshll.u32 s0, $0xA;
	s2 =	sadd.s32 s3, s2  }
0x5: {  	s2 =	sadd.s32 s2, s18  }
0x6: {  	[smem:$0x3FC6] =	sst s2  }
0x7: {  	_ = 	snop  }
0x8: {  	s2 =	sld [smem:$0x3FD0];
	(tm) =	ssettm $0x1  }
0x9: {  	s19 =	sld [smem:$0x3FFB];
	_ =	sdelay $0x3  }
0xa: {  	_ =	strace s19  }
0xb: {  	s3 =	sld [smem:$0x3FFC];
	_ =	sdelay $0x3  }
0xc: {  	_ =	strace s3  }
0xd: {  	s3 =	sld [smem:$0x3FFD];
	_ =	sdelay $0x3  }
0xe: {  	_ =	strace s3  }
0xf: {  	_ =	strace $0x8FFFFFFF  }
0x10: {  	s20 =	sld [smem:$0x3FDB];
	_ =	sdelay $0x1  }
0x11: {  	s4 =	simm.s32 $_scs_section_size  }
0x12: {  	s5 =	simm.s32 $_size__tile_overlayer_lowered;
	s6 =	simm.s32 $_tile_overlayer_lowered  }
0x13: {  	s23 =	simm.s32 $0x1BFF;
	s22 =	sshll.u32 s6, $0x1;
	s3 =	sadd.s32 s4, s20  }
0x14: {  	s7 =	simm.s32 $0x0;
	s21 =	sshll.u32 s5, $0x1;
	s5 =	sadd.s32 s22, s3  }
0x15: {  	[timem:s7], [sflag:s23] =	dma.local [hbm:s5], s21  }
0x16: {  	_ =	swait.ge [sflag:s23], s21  }
0x17: {  	s4 =	ssub.s32 $0x0, s21;
	[sflag:s23] =	ssyncset.done $0x0  }
0x18: {  	[sflag:s23] =	ssyncadd.s32 s4;
	_ =	sdelay $0x1  }
0x19: {  	s24 =	simm.s32 $0x1B8B  }
0x1a: {  	_ =	swait.ge [sflag:s24], $0x1  }
0x1b: {  	[sflag:s24] =	ssyncset.done $0x0  }
0x1c: {  	s26 =	simm.s32 $0x1B8E;
	s25 =	sld [smem:$0x3FFE];
	[sflag:s24] =	ssyncadd.s32 $0xFFFFFFFF  }
0x1d: {  	s27 =	simm.s32 $execute0_lowered;
	[smem:$0x3FD2] =	sst s26  }
0x1e: {  	s5 =	sshll.u32 s27, $0x1;
	_ =	strace $0x80000049;
	[dreg:$0x1] =	wrdreg $0xFFFFFFFF  }
0x1f: {  	s28 =	simm.s32 $_size_execute0_lowered;
	s3 =	sadd.s32 s3, s5;
	[dreg:$0x0] =	wrdreg $0x0  }
0x20: {  	s5 =	sshll.u32 s28, $0x1;
	[dreg:$0x2] =	wrdreg s3  }
0x21: {  	[dreg:$0x3] =	wrdreg s5  }
0x22: {  	[dreg:$0x4] =	wrdreg $0xC0  }
0x23: {  	_ =	task [dreg:s7], $0x5FFFF  }
0x24: {  	[dreg:$0x1] =	wrdreg $0xFFFFFFFF  }
0x25: {  	[dreg:$0x0] =	wrdreg $0x60  }
0x26: {  	[dreg:$0x2] =	wrdreg s25  }
0x27: {  	[dreg:$0x3] =	wrdreg s2  }
0x28: {  	[dreg:$0x4] =	wrdreg $0x9  }
0x29: {  	_ =	task.clear_ibuf [dreg:s7], $0x5FFFF;
	_ =	strace $0x90000049  }
0x2a: {  	s29 =	simm.s32 $0x9;
	_ =	strace $0x8000004B  }
0x2b: {  	_ =	swait.ge [sflag:s29], $0x1  }
0x2c: {  	[sflag:s29] =	ssyncadd.s32 $0xFFFFFFFF  }
0x2d: {  	_ =	strace $0x9000004B  }
0x2e: {  	_ =	sfence  }
0x2f: {  	s30 =	sld [smem:$0x0];
	_ =	sdelay $0x2  }
0x30: {  	s31 =	sshll.u32 s1, $0xD;
	s1 =	sshrl.u32 s1, $0x2  }
0x31: {  	s3 =	sand.u32 $0x4000, s31;
	s1 =	sadd.s32 s1, s30  }
0x32: {  	s0 =	sor.u32 s3, s0;
	s1 =	sshll.u32 s1, $0x11  }
0x33: {  	s0 =	sor.u32 s1, s0  }
0x34: {  	s0 =	sadd.s32 $0x8F2B, s0  }
0x35: {  	[sflag:s0] =	ssyncadd.remote.s32 $0x1  }
0x36: {  	_ =	sfence.sel $0xFFFF  }
0x37: {  	[dreg:$0x0] =	wrdreg $0xFFFFFFFF;
	(pc) =	sbr.abs _section_cstart, $3  }
0x38: {  	[dreg:$0x1] =	wrdreg $0xFFFFFFFF  }
0x39: {  	_ =	task.clear_ibuf [dreg:s7], $0x2FFFF;
	_ =	strace $0x9FFFFFFF  }
0x3a: {  	(tm) =	ssettm $0x7FFFFFFF  }
0x3b: {  	_ =	shalt  }
tec
execute0_lowered:
.L_overlay_start_1:
0x0: {  	(tag) =	ssettag $0x1  }
0x1: {  	s0 =	srdreg.scid  }
0x2: {  	s1 =	sshll.u32 s0, $0x4  }
0x3: {  	s0 =	stileid.u32;
	s1 =	sand.u32 $0x10, s1  }
0x4: {  	s1 =	sor.u32 s0, s1  }
0x5: {  	s6 =	rddreg [dreg:$0x0];
	s4 =	simm.s32 $0x1;
	s2 =	sshll.u32 s1, $0x6  }
0x6: {  	s7 =	simm.s32 $0x2;
	s13 =	simm.s32 $0x0;
	s1 =	ssub.s32 $0x1000, s2  }
0x7: {  	s8 =	simm.s32 $0x2000;
	s9 =	simm.s32 $0x80000;
	s3 =	sand.u32 $0x7C0, s1  }
0x8: {  	s14 =	simm.s32 $0x0;
	s5 =	sshrl.u32 s1, $0xB;
	p0 =	sne.s32 s3, $0x0  }
.Ltmp0:
0x9: {  	s1 =	rddreg [dreg:$0x2];
	s4 =	simm.s32 @!p0 $0x0;
	(pc) =	sbr.rel .LBB1_1-.Ltmp0, $4  }
0xa: {  	s10 =	simm.s32 $0x0;
	s3 =	rddreg [dreg:$0x1];
	s5 =	sadd.s32 s4, s5  }
0xb: {  	_ =	strace $0x8000004A;
	s4 =	simm.s32 $0x1;
	s5 =	smul.u32 $0x19, s5  }
0xc: {  	s12 =	simm.s32 $0x0;
	s6 =	sadd.s32 $0x800, s6;
	[sflag:s4] =	ssyncpa.u1 $0x0  }
0xd: {  	s11 =	smov.u32 s2;
	[sflag:s7] =	ssyncpa.u1 $0x0;
	s7 =	sadd.s32 $0x1, s5  }
.LBB1_7:
0xe: {  	s15 =	sadd.s32 $0x2, s10  }
0xf: {  	s13 =	sadd.s32 $0x800, s11;
	s17 =	smov.u32 s11;
	p1 =	sgt.s32 s15, $0x31  }
0x10: {  	s17 =	smov.u32 @p1 s13  }
0x11: {  	s15 =	simm.s32 @p1 $0x0;
	p1 =	sgt.s32 s17, $0xFFF  }
0x12: {  	s17 =	smov.u32 @p1 s2;
	p1 =	sne.s32 s12, s7  }
.Ltmp1:
0x13: {  	p0 =	slt.u32 s12, $0x2;
	(pc) =	sbr.rel @!p1 .LBB1_8-.Ltmp1, $4  }
0x14: {  	s16 =	simm.s32 @!p0 $0x2  }
0x15: {  	s14 =	smov.u32 s11;
	_ =	swait.ge @!p0 [sflag:s16], $0x4000  }
0x16: {  	s13 =	smov.u32 s10;
	[sflag:s16] =	ssyncset.done @!p0 $0x0;
	s10 =	smov.u32 s15  }
0x17: {  	s12 =	sadd.s32 $0x1, s12;
	[sflag:s16] =	ssyncadd.s32 @!p0 $0xFFFFC000;
	s11 =	smov.u32 s17  }
.LBB1_1:
0x18: {  	p0 =	sge.u32 s12, s5  }
0x19: {  	s15 =	sand.u32 @!p0 $0x1FFFFFF, s10  }
0x1a: {  	s16 =	smulhi.u32 @!p0 $0x4924925, s15;
	_ =	sdelay $0x1  }
0x1b: {  	s16 =	smul.u32 @!p0 $0x38, s16  }
0x1c: {  	s17 =	sxor.u32 @!p0 $0xFFFFFFFF, s12;
	s18 =	smul.u32 @!p0 $0x380, s11  }
0x1d: {  	s31 =	sadd.s32 $0xFFFFFFFF, s12;
	s17 =	sshll.u32 @!p0 s17, $0xE;
	s15 =	ssub.s32 @!p0 s15, s16  }
0x1e: {  	s16 =	sand.u32 @!p0 $0x4000, s17;
	s17 =	sadd.s32 @!p0 s6, s18;
	s15 =	sshll.u32 @!p0 s15, $0x4  }
0x1f: {  	s18 =	simm.s32 @!p0 $0x1C00;
	s15 =	sadd.s32 @!p0 s15, s17;
	s17 =	simm.s32 @!p0 $0x100  }
0x20: {  	[tilespmem:s16], [sflag:$0x1] =	stream.strided.gather @!p0 [hbm4b:s15+s17], $0x4000, s18, s17, $0x38;
	[tilespmem:$0x10000] =	vst v63  }
0x21: {  	p0 =	sge.u32 s31, s5  }
.Ltmp2:
0x22: {  	_ = 	snop;
	(pc) =	sbr.rel @p0 .LBB1_7-.Ltmp2, $1  }
0x23: {  	_ =	sdelay $0x3  }
0x24: {  	_ =	swait.ge [sflag:s4], $0x4000;
	s15 =	sshll.u32 s12, $0xE  }
0x25: {  	[sflag:s4] =	ssyncset.done $0x0;
	s16 =	sand.u32 $0x4000, s15  }
0x26: {  	s17 =	simm.s32 $0x0;
	[sflag:s4] =	ssyncadd.s32 $0xFFFFC000;
	s15 =	sor.u32 $0x8000, s16  }
.LBB1_3:
0x27: {  	s18 =	sshll.u32 s17, $0x8  }
0x28: {  	s18 =	sand.u32 $0x3FFFFF00, s18  }
0x29: {  	s19 =	sshll.u32 s17, $0x7;
	s18 =	sadd.s32 s18, s16  }
0x2a: {  	s19 =	sand.u32 $0x3FFFFF80, s19;
	v0 =	vmov s18  }
0x2b: {  	s19 =	sadd.s32 s19, s15  }
0x2c: {  	p0 =	por $0x1, $0x1;
	v1 =	vmov s19;
	s18 =	simm.s32 $0x0  }
.LBB1_4:
0x2d: {  	s19 =	sshll.u32 s18, $0x7  }
0x2e: {  	s19 =	sand.u32 $0x3FFFFF80, s19  }
0x2f: {  	v2 =	vld.idx.msk [tilespmem:v0+s19+$0x0 ss:$0x1], $0xffff  }
0x30: {  	v3 =	vld.idx.msk [tilespmem:v0+s19+$0x10 ss:$0x1], $0xffff  }
0x31: {  	v4 =	vld.idx.msk [tilespmem:v0+s19+$0x20 ss:$0x1], $0xffff  }
0x32: {  	s31 =	sshll.u32 s18, $0xD;
	v5 =	vld.idx.msk [tilespmem:v0+s19+$0x30 ss:$0x1], $0xffff  }
0x33: {  	s18 =	sand.u32 $0x3FFFE000, s31;
	v6 =	vld.idx.msk [tilespmem:v0+s19+$0x40 ss:$0x1], $0xffff  }
0x34: {  	v63 =	vld.idx.msk [tilespmem:v0+s19+$0x70 ss:$0x1], $0xffff;
	[tilespmem:v1+s18+$0x0 ss:$0x1] =	vst.idx.msk $0xffff, v2  }
0x35: {  	v2 =	vld.idx.msk [tilespmem:v0+s19+$0x50 ss:$0x1], $0xffff;
	[tilespmem:v1+s18+$0x10 ss:$0x1] =	vst.idx.msk $0xffff, v3  }
0x36: {  	p1 =	por p0, p0;
	v3 =	vld.idx.msk [tilespmem:v0+s19+$0x60 ss:$0x1], $0xffff;
	[tilespmem:v1+s18+$0x20 ss:$0x1] =	vst.idx.msk $0xffff, v4  }
.Ltmp3:
0x37: {  	[tilespmem:v1+s18+$0x30 ss:$0x1] =	vst.idx.msk $0xffff, v5;
	(pc) =	sbr.rel @p1 .LBB1_4-.Ltmp3, $4  }
0x38: {  	[tilespmem:v1+s18+$0x40 ss:$0x1] =	vst.idx.msk $0xffff, v6  }
0x39: {  	[tilespmem:v1+s18+$0x70 ss:$0x1] =	vst.idx.msk $0xffff, v63  }
0x3a: {  	[tilespmem:v1+s18+$0x50 ss:$0x1] =	vst.idx.msk $0xffff, v2  }
0x3b: {  	p0 =	por $0x0, $0x0;
	[tilespmem:v1+s18+$0x60 ss:$0x1] =	vst.idx.msk $0xffff, v3;
	s18 =	simm.s32 $0x1  }
0x3c: {  	s17 =	sadd.s32 $0x1, s17  }
0x3d: {  	p0 =	sne.s32 s17, $0x40  }
.Ltmp4:
0x3e: {  	_ = 	snop;
	(pc) =	sbr.rel @p0 .LBB1_3-.Ltmp4, $1  }
0x3f: {  	_ =	sdelay $0x3  }
.Ltmp5:
0x40: {  	s14 =	sshll.u32 s14, $0x4;
	(pc) =	sbr.rel .LBB1_7-.Ltmp5, $4  }
0x41: {  	s14 =	sand.u32 $0xFFF0, s14  }
0x42: {  	s13 =	sshll.u32 s13, $0x10;
	s14 =	sadd.s32 s3, s14  }
0x43: {  	s13 =	sadd.s32 s13, s14  }
0x44: {  	[hbm4b:s13+s8] =	stream.strided.scatter [tilespmem:s15], [sflag:$0x2], $0x4000, s9, s8, $0x38;
	[tilespmem:$0x10000] =	vst v63  }
.LBB1_8:
0x45: {  	_ =	sfence.sel $0x180000  }
0x46: {  	s2 =	simm.s32 $0x1;
	[bflag:$0x0] =	sbarrier.arrive $0xFFFF  }
0x47: {  	s31 =	simm.s32 $0x2;
	[sflag:s2] =	ssyncpa.u1 $0x1  }
0x48: {  	[sflag:s31] =	ssyncpa.u1 $0x1  }
0x49: {  	p0 =	sne.s32 s0, $0x0;
	_ =	strace $0x9000004A  }
0x4a: {  	s0 =	sadd.s32 @!p0 $0x100000, s1;
	[bflag:$0x2] =	sbarrier.arrive $0xFFFF  }
0x4b: {  	[sflag:s0] =	ssyncadd.tile.s32 @!p0 $0x1;
	_ =	shalt  }
.Lfunc_end1:
_tile_overlayer_lowered:
.L_overlay_start_2:
0x4c: {  	(tag) =	ssettag $0x2  }
0x4d: {  	s0 =	rddreg [dreg:$0x0];
	s2 =	stileid.u32  }
0x4e: {  	s1 =	rddreg [dreg:$0x1];
	p0 =	sne.s32 s2, $0x0  }
0x4f: {  	s3 =	rddreg [dreg:$0x2];
	[bflag:$0x3] =	sbarrier.arrive $0xFFFF;
	s2 =	simm.s32 @!p0 $0x1C01  }
0x50: {  	[timem:s3], [sflag:s2] =	dma.local @!p0 [hbm:s0], s1  }
0x51: {  	s0 =	simm.s32 @!p0 $0x1  }
0x52: {  	_ =	swait.ge @!p0 [sflag:s0], s1  }
0x53: {  	s1 =	ssub.s32 @!p0 $0x0, s1;
	[sflag:s0] =	ssyncset.done @!p0 $0x0  }
0x54: {  	[sflag:s0] =	ssyncadd.s32 @!p0 s1  }
0x55: {  	[bflag:$0x3] =	sbarrier.arrive $0xFFFF  }
0x56: {  	_ =	shalt  }

</sc_bundles>
